<compile_context>
chip_gen: v7x
topology: tpu7x:2x2x1
jax: 0.10.2.dev20260603
libtpu: 0.0.44.dev20260713+nightly
codegen_flags: <defaults>
</compile_context>

<pallas_src>
import functools

import jax
import jax.numpy as jnp
from jax import lax
from jax.experimental import pallas as pl
from jax.experimental.pallas import tpu as pltpu
from jax.experimental.pallas import tpu_sc as plsc

B = 16384
V = 100000
D1 = 64
D2 = 128
NC = 2
NS = 16
NW = NC * NS
B_PER_W = B // NW
CHUNK2 = 64
NCHUNK2 = B_PER_W // CHUNK2
R_PER_W = D1 // NW
IDX_CHUNK = 2048
NIDX = B // IDX_CHUNK
L = 16

_mesh = plsc.VectorSubcoreMesh(core_axis_name="c", subcore_axis_name="s")


@functools.partial(
    pl.kernel,
    mesh=_mesh,
    compiler_params=pltpu.CompilerParams(
        use_tc_tiling_on_sc=True, needs_layout_passes=False,
        internal_scratch_in_bytes=65536),
    out_type=(
        jax.ShapeDtypeStruct((D1, B), jnp.float32),
        jax.ShapeDtypeStruct((B, D2), jnp.float32),
    ),
    scratch_types=[
        pltpu.VMEM((B_PER_W,), jnp.int32),
        pltpu.VMEM((CHUNK2, D2), jnp.float32),
        pltpu.VMEM((CHUNK2, D2), jnp.float32),
        pltpu.VMEM((1, V), jnp.float32),
        pltpu.VMEM((IDX_CHUNK,), jnp.int32),
        pltpu.VMEM((IDX_CHUNK,), jnp.int32),
        pltpu.VMEM((1, IDX_CHUNK), jnp.float32),
        pltpu.VMEM((1, IDX_CHUNK), jnp.float32),
        pltpu.SemaphoreType.DMA,
        pltpu.SemaphoreType.DMA,
        pltpu.SemaphoreType.DMA,
        pltpu.SemaphoreType.DMA,
        pltpu.SemaphoreType.DMA,
        pltpu.SemaphoreType.DMA,
    ],
    name="sc_dual_gather",
)
def _dual_gather(ids_hbm, w1t_hbm, w2_hbm, out1t_hbm, out2_hbm,
                 idx_v, rows2a_v, rows2b_v, wrow_v,
                 idxga_v, idxgb_v, oga_v, ogb_v,
                 sem2a, sem2b, semr, semi, semo, semw):
    wid = lax.axis_index("s") * NC + lax.axis_index("c")
    base = wid * B_PER_W
    j0 = wid * R_PER_W

    hrow = pltpu.async_copy(w1t_hbm.at[pl.ds(j0, 1)], wrow_v, semr)
    pltpu.sync_copy(ids_hbm.at[pl.ds(base, B_PER_W)], idx_v)

    bufs = (rows2a_v, rows2b_v)
    sems = (sem2a, sem2b)

    def _gather2(j):
        return pltpu.async_copy(
            w2_hbm.at[idx_v.at[pl.ds(j * CHUNK2, CHUNK2)]],
            bufs[j % 2], sems[j % 2])

    inflight = [_gather2(0), _gather2(1)]

    idxg = (idxga_v, idxgb_v)
    og = (oga_v, ogb_v)

    def _fetch_idx(c, p):
        return pltpu.async_copy(
            ids_hbm.at[pl.ds(c * IDX_CHUNK, IDX_CHUNK)], idxg[p], semi)

    hidx = [_fetch_idx(0, 0), None]
    row_ref = wrow_v.at[0]
    og_w = [None, None]
    w2w = [None, None]

    hrow.wait()
    for r in range(R_PER_W):
        j = j0 + r
        if r > 0:
            hrow.wait()
        for c in range(NIDX):
            p = c % 2
            hidx[p].wait()
            if c + 1 < NIDX:
                hidx[(c + 1) % 2] = _fetch_idx(c + 1, (c + 1) % 2)
            elif r + 1 < R_PER_W:
                hidx[0] = _fetch_idx(0, 0)
            if og_w[p] is not None:
                og_w[p].wait()
            if r == 0:
                inflight[p].wait()
                w2w[p] = pltpu.async_copy(
                    bufs[p], out2_hbm.at[pl.ds(base + c * CHUNK2, CHUNK2)],
                    semw)
            ochunk = og[p].at[0]
            ichunk = idxg[p]

            @plsc.parallel_loop(0, IDX_CHUNK // L, unroll=8)
            def _grp(g):
                iv = ichunk[pl.ds(g * L, L)]
                ochunk[pl.ds(g * L, L)] = plsc.load_gather(row_ref, [iv])

            og_w[p] = pltpu.async_copy(
                og[p],
                out1t_hbm.at[pl.ds(j, 1), pl.ds(c * IDX_CHUNK, IDX_CHUNK)],
                semo)
            if r == 0 and c + 2 < NCHUNK2:
                w2w[p].wait()
                w2w[p] = None
                inflight[p] = _gather2(c + 2)
        if r + 1 < R_PER_W:
            hrow = pltpu.async_copy(
                w1t_hbm.at[pl.ds(j0 + r + 1, 1)], wrow_v, semr)
    for h in og_w + w2w:
        if h is not None:
            h.wait()


def kernel(instance_ids, W_instance, W_backgrounds):
    ids = jnp.squeeze(instance_ids).astype(jnp.int32)
    out1t, out2 = _dual_gather(ids, W_instance.T, W_backgrounds)
    return (out1t.T, out2)

# --- scband reference (transcript-rebuilt; emitter-appended) ---
"""Pipeline reference for scband-code-library-bckg-obj-1958505087173 (READ-ONLY COPY).

The authoritative reference and input builder live on the scoring server;
editing this copy changes nothing except your own understanding.
"""

import jax, jax.numpy as jnp
import numpy as np


def setup_inputs(seed: int = 0) -> dict:
    key = jax.random.key(seed)
    k1, k2, k3 = jax.random.split(key, 3)
    instance_ids = jax.random.randint(k1, (16384,), 0, 100000, dtype=jnp.int64) if jax.config.read('jax_enable_x64') else jax.random.randint(k1, (16384,), 0, 100000, dtype=jnp.int32)
    W_instance = jax.random.normal(k2, (100000, 64), dtype=jnp.float32) * 0.02
    W_backgrounds = jax.random.normal(k3, (100000, 128), dtype=jnp.float32) * 0.02
    return {"instance_ids": instance_ids, "W_instance": W_instance, "W_backgrounds": W_backgrounds}


def reference(instance_ids, W_instance, W_backgrounds):
    # Faithful translation of CodeLibraryBckgObj.forward for inputs containing 'instance_ids':
    #   embedding_instance   = Embedding(N_max_objs, N_obj_code_length)(ids.squeeze())
    #   embedding_backgrounds = Embedding(N_max_objs, 128)(ids.squeeze())
    ids = jnp.squeeze(instance_ids)
    embedding_instance = jnp.take(W_instance, ids, axis=0)
    embedding_backgrounds = jnp.take(W_backgrounds, ids, axis=0)
    return (embedding_instance, embedding_backgrounds)

if __name__ == "__main__":
    import jax
    _d = setup_inputs()
    print(jax.jit(kernel)(*tuple(_d.values())))

</pallas_src>

<mosaic_0001>
#map = affine_map<(d0, d1) -> (0)>
#map1 = affine_map<(d0, d1) -> (0, 0)>
module attributes {stable_mosaic.version = 14 : i64} {
  func.func @sc_dual_gather(%arg0: i32, %arg1: i32, %arg2: memref<16384xi32, #tpu.memory_space<hbm>>, %arg3: memref<64x100000xf32, #tpu.memory_space<hbm>>, %arg4: memref<100000x128xf32, #tpu.memory_space<hbm>>, %arg5: memref<64x16384xf32, #tpu.memory_space<hbm>>, %arg6: memref<16384x128xf32, #tpu.memory_space<hbm>>, %arg7: memref<512xi32, #tpu.memory_space<vmem>>, %arg8: memref<64x128xf32, #tpu.memory_space<vmem>>, %arg9: memref<64x128xf32, #tpu.memory_space<vmem>>, %arg10: memref<1x100000xf32, #tpu.memory_space<vmem>>, %arg11: memref<2048xi32, #tpu.memory_space<vmem>>, %arg12: memref<2048xi32, #tpu.memory_space<vmem>>, %arg13: memref<1x2048xf32, #tpu.memory_space<vmem>>, %arg14: memref<1x2048xf32, #tpu.memory_space<vmem>>, %arg15: memref<!tpu.dma_semaphore, #tpu.memory_space<semaphore_mem>>, %arg16: memref<!tpu.dma_semaphore, #tpu.memory_space<semaphore_mem>>, %arg17: memref<!tpu.dma_semaphore, #tpu.memory_space<semaphore_mem>>, %arg18: memref<!tpu.dma_semaphore, #tpu.memory_space<semaphore_mem>>, %arg19: memref<!tpu.dma_semaphore, #tpu.memory_space<semaphore_mem>>, %arg20: memref<!tpu.dma_semaphore, #tpu.memory_space<semaphore_mem>>) attributes {dimension_semantics = [#tpu.dimension_semantics<core_parallel>, #tpu.dimension_semantics<subcore_parallel>], iteration_bounds = array<i64: 2, 16>, scalar_prefetch = 0 : i64, scratch_operands = 14 : i64, tpu.core_type = #tpu.core_type<sc_vector_subcore>, window_params = [{transform_indices = #map}, {transform_indices = #map1}, {transform_indices = #map1}, {transform_indices = #map1}, {transform_indices = #map1}]} {
    %mul3A = arith.constant 2 : i32
    %mul3A_0 = arith.muli %arg1, %mul3A : i32
    %add3A = arith.addi %mul3A_0, %arg0 : i32
    %mul3A_1 = arith.constant 512 : i32
    %mul3A_2 = arith.muli %add3A, %mul3A_1 : i32
    %mul3A_3 = arith.constant 2 : i32
    %mul3A_4 = arith.muli %add3A, %mul3A_3 : i32
    %dma_start3A = arith.constant 0 : i32
    %dma_start3A_5 = tpu.memref_slice %arg3[%mul3A_4, %dma_start3A] : memref<64x100000xf32, #tpu.memory_space<hbm>> -> memref<1x100000xf32, #tpu.memory_space<hbm>>
    %dma_start3A_6 = arith.constant 0 : i32
    %dma_start3A_7 = tpu.memref_slice %arg3[%mul3A_4, %dma_start3A_6] : memref<64x100000xf32, #tpu.memory_space<hbm>> -> memref<1x100000xf32, #tpu.memory_space<hbm>>
    tpu.enqueue_dma source(%dma_start3A_7 : memref<1x100000xf32, #tpu.memory_space<hbm>>) target(%arg10 : memref<1x100000xf32, #tpu.memory_space<vmem>>) target_semaphore(%arg17 : memref<!tpu.dma_semaphore, #tpu.memory_space<semaphore_mem>>)
    "tpu.region"() ({
      %run_scoped3A = tpu.sem_alloc : memref<!tpu.dma_semaphore, #tpu.memory_space<semaphore_mem>>
      %dma_start3A_522 = tpu.memref_slice %arg2[%mul3A_2] : memref<16384xi32, #tpu.memory_space<hbm>> -> memref<512xi32, #tpu.memory_space<hbm>>
      %dma_start3A_523 = tpu.memref_slice %arg2[%mul3A_2] : memref<16384xi32, #tpu.memory_space<hbm>> -> memref<512xi32, #tpu.memory_space<hbm>>
      tpu.enqueue_dma source(%dma_start3A_523 : memref<512xi32, #tpu.memory_space<hbm>>) target(%arg7 : memref<512xi32, #tpu.memory_space<vmem>>) target_semaphore(%run_scoped3A : memref<!tpu.dma_semaphore, #tpu.memory_space<semaphore_mem>>)
      %dma_wait3A_524 = tpu.memref_slice %arg2[%mul3A_2] : memref<16384xi32, #tpu.memory_space<hbm>> -> memref<512xi32, #tpu.memory_space<hbm>>
      %dma_wait3A_525 = tpu.memref_slice %arg2[%mul3A_2] : memref<16384xi32, #tpu.memory_space<hbm>> -> memref<512xi32, #tpu.memory_space<hbm>>
      tpu.wait_dma2 semaphore(%run_scoped3A : memref<!tpu.dma_semaphore, #tpu.memory_space<semaphore_mem>>) src(%dma_wait3A_525 : memref<512xi32, #tpu.memory_space<hbm>>) dst(%arg7 : memref<512xi32, #tpu.memory_space<vmem>>)
      tpu.yield
    }) : () -> ()
    %dma_start3A_8 = arith.constant 0 : i32
    %dma_start3A_9 = tpu.memref_slice %arg7[%dma_start3A_8] : memref<512xi32, #tpu.memory_space<vmem>> -> memref<64xi32, #tpu.memory_space<vmem>>
    %dma_start3A_10 = arith.constant 0 : i32
    %dma_start3A_11 = arith.constant 0 : i32
    %dma_start3A_12 = tpu.memref_slice %arg4[%dma_start3A_10, %dma_start3A_11] : memref<100000x128xf32, #tpu.memory_space<hbm>> -> memref<100000x128xf32, #tpu.memory_space<hbm>>
    tpu.enqueue_indirect_dma source(%dma_start3A_12 : memref<100000x128xf32, #tpu.memory_space<hbm>>) target(%arg8 : memref<64x128xf32, #tpu.memory_space<vmem>>) offsets(%dma_start3A_9 : memref<64xi32, #tpu.memory_space<vmem>>) semaphore(%arg15 : memref<!tpu.dma_semaphore, #tpu.memory_space<semaphore_mem>>)
    %dma_start3A_13 = arith.constant 64 : i32
    %dma_start3A_14 = tpu.memref_slice %arg7[%dma_start3A_13] : memref<512xi32, #tpu.memory_space<vmem>> -> memref<64xi32, #tpu.memory_space<vmem>>
    %dma_start3A_15 = arith.constant 0 : i32
    %dma_start3A_16 = arith.constant 0 : i32
    %dma_start3A_17 = tpu.memref_slice %arg4[%dma_start3A_15, %dma_start3A_16] : memref<100000x128xf32, #tpu.memory_space<hbm>> -> memref<100000x128xf32, #tpu.memory_space<hbm>>
    tpu.enqueue_indirect_dma source(%dma_start3A_17 : memref<100000x128xf32, #tpu.memory_space<hbm>>) target(%arg9 : memref<64x128xf32, #tpu.memory_space<vmem>>) offsets(%dma_start3A_14 : memref<64xi32, #tpu.memory_space<vmem>>) semaphore(%arg16 : memref<!tpu.dma_semaphore, #tpu.memory_space<semaphore_mem>>)
    %dma_start3A_18 = arith.constant 0 : i32
    %dma_start3A_19 = tpu.memref_slice %arg2[%dma_start3A_18] : memref<16384xi32, #tpu.memory_space<hbm>> -> memref<2048xi32, #tpu.memory_space<hbm>>
    %dma_start3A_20 = arith.constant 0 : i32
    %dma_start3A_21 = tpu.memref_slice %arg2[%dma_start3A_20] : memref<16384xi32, #tpu.memory_space<hbm>> -> memref<2048xi32, #tpu.memory_space<hbm>>
    tpu.enqueue_dma source(%dma_start3A_21 : memref<2048xi32, #tpu.memory_space<hbm>>) target(%arg11 : memref<2048xi32, #tpu.memory_space<vmem>>) target_semaphore(%arg18 : memref<!tpu.dma_semaphore, #tpu.memory_space<semaphore_mem>>)
    %dma_wait3A = arith.constant 0 : i32
    %dma_wait3A_22 = tpu.memref_slice %arg3[%mul3A_4, %dma_wait3A] : memref<64x100000xf32, #tpu.memory_space<hbm>> -> memref<1x100000xf32, #tpu.memory_space<hbm>>
    %dma_wait3A_23 = arith.constant 0 : i32
    %dma_wait3A_24 = tpu.memref_slice %arg3[%mul3A_4, %dma_wait3A_23] : memref<64x100000xf32, #tpu.memory_space<hbm>> -> memref<1x100000xf32, #tpu.memory_space<hbm>>
    tpu.wait_dma2 semaphore(%arg17 : memref<!tpu.dma_semaphore, #tpu.memory_space<semaphore_mem>>) src(%dma_wait3A_24 : memref<1x100000xf32, #tpu.memory_space<hbm>>) dst(%arg10 : memref<1x100000xf32, #tpu.memory_space<vmem>>)
    %add3A_25 = arith.constant 0 : i32
    %add3A_26 = arith.addi %mul3A_4, %add3A_25 : i32
    %dma_wait3A_27 = arith.constant 0 : i32
    %dma_wait3A_28 = tpu.memref_slice %arg2[%dma_wait3A_27] : memref<16384xi32, #tpu.memory_space<hbm>> -> memref<2048xi32, #tpu.memory_space<hbm>>
    %dma_wait3A_29 = arith.constant 0 : i32
    %dma_wait3A_30 = tpu.memref_slice %arg2[%dma_wait3A_29] : memref<16384xi32, #tpu.memory_space<hbm>> -> memref<2048xi32, #tpu.memory_space<hbm>>
    tpu.wait_dma2 semaphore(%arg18 : memref<!tpu.dma_semaphore, #tpu.memory_space<semaphore_mem>>) src(%dma_wait3A_30 : memref<2048xi32, #tpu.memory_space<hbm>>) dst(%arg11 : memref<2048xi32, #tpu.memory_space<vmem>>)
    %dma_start3A_31 = arith.constant 2048 : i32
    %dma_start3A_32 = tpu.memref_slice %arg2[%dma_start3A_31] : memref<16384xi32, #tpu.memory_space<hbm>> -> memref<2048xi32, #tpu.memory_space<hbm>>
    %dma_start3A_33 = arith.constant 2048 : i32
    %dma_start3A_34 = tpu.memref_slice %arg2[%dma_start3A_33] : memref<16384xi32, #tpu.memory_space<hbm>> -> memref<2048xi32, #tpu.memory_space<hbm>>
    tpu.enqueue_dma source(%dma_start3A_34 : memref<2048xi32, #tpu.memory_space<hbm>>) target(%arg12 : memref<2048xi32, #tpu.memory_space<vmem>>) target_semaphore(%arg18 : memref<!tpu.dma_semaphore, #tpu.memory_space<semaphore_mem>>)
    %dma_wait3A_35 = arith.constant 0 : i32
    %dma_wait3A_36 = tpu.memref_slice %arg7[%dma_wait3A_35] : memref<512xi32, #tpu.memory_space<vmem>> -> memref<64xi32, #tpu.memory_space<vmem>>
    %dma_wait3A_37 = arith.constant 0 : i32
    %dma_wait3A_38 = arith.constant 0 : i32
    %dma_wait3A_39 = tpu.memref_slice %arg4[%dma_wait3A_37, %dma_wait3A_38] : memref<100000x128xf32, #tpu.memory_space<hbm>> -> memref<100000x128xf32, #tpu.memory_space<hbm>>
    tpu.wait_indirect_dma semaphore(%arg15 : memref<!tpu.dma_semaphore, #tpu.memory_space<semaphore_mem>>) src(%dma_wait3A_39 : memref<100000x128xf32, #tpu.memory_space<hbm>>) dst(%arg8 : memref<64x128xf32, #tpu.memory_space<vmem>>)
    %add3A_40 = arith.constant 0 : i32
    %add3A_41 = arith.addi %mul3A_2, %add3A_40 : i32
    %dma_start3A_42 = arith.constant 0 : i32
    %dma_start3A_43 = tpu.memref_slice %arg6[%add3A_41, %dma_start3A_42] : memref<16384x128xf32, #tpu.memory_space<hbm>> -> memref<64x128xf32, #tpu.memory_space<hbm>>
    %dma_start3A_44 = arith.constant 0 : i32
    %dma_start3A_45 = tpu.memref_slice %arg6[%add3A_41, %dma_start3A_44] : memref<16384x128xf32, #tpu.memory_space<hbm>> -> memref<64x128xf32, #tpu.memory_space<hbm>>
    tpu.enqueue_dma source(%arg8 : memref<64x128xf32, #tpu.memory_space<vmem>>) target(%dma_start3A_45 : memref<64x128xf32, #tpu.memory_space<hbm>>) target_semaphore(%arg20 : memref<!tpu.dma_semaphore, #tpu.memory_space<semaphore_mem>>)
    %parallel_loop3A = arith.constant 0 : i32
    %parallel_loop3A_46 = arith.constant 128 : i32
    %parallel_loop3A_47 = arith.constant 1 : i32
    %parallel_loop3A_48 = arith.constant 0 : i32
    %parallel_loop3A_49 = arith.constant 0 : i32
    scf.for %parallel_loop3A_522 = %parallel_loop3A to %parallel_loop3A_46 step %parallel_loop3A_47  : i32 {
      %parallel_loop3A_523 = arith.constant 16 : i32
      %parallel_loop3A_524 = arith.muli %parallel_loop3A_522, %parallel_loop3A_523 : i32
      %parallel_loop3A_525 = arith.index_cast %parallel_loop3A_524 : i32 to index
      %parallel_loop3A_526 = tpu.vector_load %arg11[%parallel_loop3A_525] {strides = array<i32>} : memref<2048xi32, #tpu.memory_space<vmem>>, vector<16xi32>,
      %parallel_loop3A_527 = arith.constant 0 : i32
      %parallel_loop3A_528 = tpu.memref_slice %arg10[%parallel_loop3A_48, %parallel_loop3A_527] : memref<1x100000xf32, #tpu.memory_space<vmem>> -> memref<1x100000xf32, #tpu.memory_space<vmem>>
      %parallel_loop3A_529 = tpu.memref_squeeze %parallel_loop3A_528 : memref<1x100000xf32, #tpu.memory_space<vmem>> -> memref<100000xf32, #tpu.memory_space<vmem>>
      %parallel_loop3A_530 = tpu.vector_load_idx %parallel_loop3A_529[%parallel_loop3A_526] : memref<100000xf32, #tpu.memory_space<vmem>>[vector<16xi32>], vector<16xf32>,
      %parallel_loop3A_531 = arith.constant 16 : i32
      %parallel_loop3A_532 = arith.muli %parallel_loop3A_522, %parallel_loop3A_531 : i32
      %parallel_loop3A_533 = arith.constant 0 : i32
      %parallel_loop3A_534 = tpu.memref_slice %arg13[%parallel_loop3A_49, %parallel_loop3A_533] : memref<1x2048xf32, #tpu.memory_space<vmem>> -> memref<1x2048xf32, #tpu.memory_space<vmem>>
      %parallel_loop3A_535 = tpu.memref_squeeze %parallel_loop3A_534 : memref<1x2048xf32, #tpu.memory_space<vmem>> -> memref<2048xf32, #tpu.memory_space<vmem>>
      %parallel_loop3A_536 = arith.index_cast %parallel_loop3A_532 : i32 to index
      %parallel_loop3A_537 = tpu.vector_load %parallel_loop3A_535[%parallel_loop3A_536] {strides = array<i32>} : memref<2048xf32, #tpu.memory_space<vmem>>, vector<16xf32>,
      tpu.vector_store %parallel_loop3A_535[%parallel_loop3A_536], %parallel_loop3A_530 {strides = array<i32>} : memref<2048xf32, #tpu.memory_space<vmem>>, vector<16xf32>,
    } {sc.loop_unroll_factor = 8 : i64, sc.parallel_access}
    %dma_start3A_50 = arith.constant 0 : i32
    %dma_start3A_51 = tpu.memref_slice %arg5[%add3A_26, %dma_start3A_50] : memref<64x16384xf32, #tpu.memory_space<hbm>> -> memref<1x2048xf32, #tpu.memory_space<hbm>>
    %dma_start3A_52 = arith.constant 0 : i32
    %dma_start3A_53 = tpu.memref_slice %arg5[%add3A_26, %dma_start3A_52] : memref<64x16384xf32, #tpu.memory_space<hbm>> -> memref<1x2048xf32, #tpu.memory_space<hbm>>
    tpu.enqueue_dma source(%arg13 : memref<1x2048xf32, #tpu.memory_space<vmem>>) target(%dma_start3A_53 : memref<1x2048xf32, #tpu.memory_space<hbm>>) target_semaphore(%arg19 : memref<!tpu.dma_semaphore, #tpu.memory_space<semaphore_mem>>)
    %dma_wait3A_54 = arith.constant 0 : i32
    %dma_wait3A_55 = tpu.memref_slice %arg6[%add3A_41, %dma_wait3A_54] : memref<16384x128xf32, #tpu.memory_space<hbm>> -> memref<64x128xf32, #tpu.memory_space<hbm>>
    %dma_wait3A_56 = arith.constant 0 : i32
    %dma_wait3A_57 = tpu.memref_slice %arg6[%add3A_41, %dma_wait3A_56] : memref<16384x128xf32, #tpu.memory_space<hbm>> -> memref<64x128xf32, #tpu.memory_space<hbm>>
    tpu.wait_dma2 semaphore(%arg20 : memref<!tpu.dma_semaphore, #tpu.memory_space<semaphore_mem>>) src(%arg8 : memref<64x128xf32, #tpu.memory_space<vmem>>) dst(%dma_wait3A_57 : memref<64x128xf32, #tpu.memory_space<hbm>>)
    %dma_start3A_58 = arith.constant 128 : i32
    %dma_start3A_59 = tpu.memref_slice %arg7[%dma_start3A_58] : memref<512xi32, #tpu.memory_space<vmem>> -> memref<64xi32, #tpu.memory_space<vmem>>
    %dma_start3A_60 = arith.constant 0 : i32
    %dma_start3A_61 = arith.constant 0 : i32
    %dma_start3A_62 = tpu.memref_slice %arg4[%dma_start3A_60, %dma_start3A_61] : memref<100000x128xf32, #tpu.memory_space<hbm>> -> memref<100000x128xf32, #tpu.memory_space<hbm>>
    tpu.enqueue_indirect_dma source(%dma_start3A_62 : memref<100000x128xf32, #tpu.memory_space<hbm>>) target(%arg8 : memref<64x128xf32, #tpu.memory_space<vmem>>) offsets(%dma_start3A_59 : memref<64xi32, #tpu.memory_space<vmem>>) semaphore(%arg15 : memref<!tpu.dma_semaphore, #tpu.memory_space<semaphore_mem>>)
    %dma_wait3A_63 = arith.constant 2048 : i32
    %dma_wait3A_64 = tpu.memref_slice %arg2[%dma_wait3A_63] : memref<16384xi32, #tpu.memory_space<hbm>> -> memref<2048xi32, #tpu.memory_space<hbm>>
    %dma_wait3A_65 = arith.constant 2048 : i32
    %dma_wait3A_66 = tpu.memref_slice %arg2[%dma_wait3A_65] : memref<16384xi32, #tpu.memory_space<hbm>> -> memref<2048xi32, #tpu.memory_space<hbm>>
    tpu.wait_dma2 semaphore(%arg18 : memref<!tpu.dma_semaphore, #tpu.memory_space<semaphore_mem>>) src(%dma_wait3A_66 : memref<2048xi32, #tpu.memory_space<hbm>>) dst(%arg12 : memref<2048xi32, #tpu.memory_space<vmem>>)
    %dma_start3A_67 = arith.constant 4096 : i32
    %dma_start3A_68 = tpu.memref_slice %arg2[%dma_start3A_67] : memref<16384xi32, #tpu.memory_space<hbm>> -> memref<2048xi32, #tpu.memory_space<hbm>>
    %dma_start3A_69 = arith.constant 4096 : i32
    %dma_start3A_70 = tpu.memref_slice %arg2[%dma_start3A_69] : memref<16384xi32, #tpu.memory_space<hbm>> -> memref<2048xi32, #tpu.memory_space<hbm>>
    tpu.enqueue_dma source(%dma_start3A_70 : memref<2048xi32, #tpu.memory_space<hbm>>) target(%arg11 : memref<2048xi32, #tpu.memory_space<vmem>>) target_semaphore(%arg18 : memref<!tpu.dma_semaphore, #tpu.memory_space<semaphore_mem>>)
    %dma_wait3A_71 = arith.constant 64 : i32
    %dma_wait3A_72 = tpu.memref_slice %arg7[%dma_wait3A_71] : memref<512xi32, #tpu.memory_space<vmem>> -> memref<64xi32, #tpu.memory_space<vmem>>
    %dma_wait3A_73 = arith.constant 0 : i32
    %dma_wait3A_74 = arith.constant 0 : i32
    %dma_wait3A_75 = tpu.memref_slice %arg4[%dma_wait3A_73, %dma_wait3A_74] : memref<100000x128xf32, #tpu.memory_space<hbm>> -> memref<100000x128xf32, #tpu.memory_space<hbm>>
    tpu.wait_indirect_dma semaphore(%arg16 : memref<!tpu.dma_semaphore, #tpu.memory_space<semaphore_mem>>) src(%dma_wait3A_75 : memref<100000x128xf32, #tpu.memory_space<hbm>>) dst(%arg9 : memref<64x128xf32, #tpu.memory_space<vmem>>)
    %add3A_76 = arith.constant 64 : i32
    %add3A_77 = arith.addi %mul3A_2, %add3A_76 : i32
    %dma_start3A_78 = arith.constant 0 : i32
    %dma_start3A_79 = tpu.memref_slice %arg6[%add3A_77, %dma_start3A_78] : memref<16384x128xf32, #tpu.memory_space<hbm>> -> memref<64x128xf32, #tpu.memory_space<hbm>>
    %dma_start3A_80 = arith.constant 0 : i32
    %dma_start3A_81 = tpu.memref_slice %arg6[%add3A_77, %dma_start3A_80] : memref<16384x128xf32, #tpu.memory_space<hbm>> -> memref<64x128xf32, #tpu.memory_space<hbm>>
    tpu.enqueue_dma source(%arg9 : memref<64x128xf32, #tpu.memory_space<vmem>>) target(%dma_start3A_81 : memref<64x128xf32, #tpu.memory_space<hbm>>) target_semaphore(%arg20 : memref<!tpu.dma_semaphore, #tpu.memory_space<semaphore_mem>>)
    %parallel_loop3A_82 = arith.constant 0 : i32
    %parallel_loop3A_83 = arith.constant 128 : i32
    %parallel_loop3A_84 = arith.constant 1 : i32
    %parallel_loop3A_85 = arith.constant 0 : i32
    %parallel_loop3A_86 = arith.constant 0 : i32
    scf.for %parallel_loop3A_522 = %parallel_loop3A_82 to %parallel_loop3A_83 step %parallel_loop3A_84  : i32 {
      %parallel_loop3A_523 = arith.constant 16 : i32
      %parallel_loop3A_524 = arith.muli %parallel_loop3A_522, %parallel_loop3A_523 : i32
      %parallel_loop3A_525 = arith.index_cast %parallel_loop3A_524 : i32 to index
      %parallel_loop3A_526 = tpu.vector_load %arg12[%parallel_loop3A_525] {strides = array<i32>} : memref<2048xi32, #tpu.memory_space<vmem>>, vector<16xi32>,
      %parallel_loop3A_527 = arith.constant 0 : i32
      %parallel_loop3A_528 = tpu.memref_slice %arg10[%parallel_loop3A_85, %parallel_loop3A_527] : memref<1x100000xf32, #tpu.memory_space<vmem>> -> memref<1x100000xf32, #tpu.memory_space<vmem>>
      %parallel_loop3A_529 = tpu.memref_squeeze %parallel_loop3A_528 : memref<1x100000xf32, #tpu.memory_space<vmem>> -> memref<100000xf32, #tpu.memory_space<vmem>>
      %parallel_loop3A_530 = tpu.vector_load_idx %parallel_loop3A_529[%parallel_loop3A_526] : memref<100000xf32, #tpu.memory_space<vmem>>[vector<16xi32>], vector<16xf32>,
      %parallel_loop3A_531 = arith.constant 16 : i32
      %parallel_loop3A_532 = arith.muli %parallel_loop3A_522, %parallel_loop3A_531 : i32
      %parallel_loop3A_533 = arith.constant 0 : i32
      %parallel_loop3A_534 = tpu.memref_slice %arg14[%parallel_loop3A_86, %parallel_loop3A_533] : memref<1x2048xf32, #tpu.memory_space<vmem>> -> memref<1x2048xf32, #tpu.memory_space<vmem>>
      %parallel_loop3A_535 = tpu.memref_squeeze %parallel_loop3A_534 : memref<1x2048xf32, #tpu.memory_space<vmem>> -> memref<2048xf32, #tpu.memory_space<vmem>>
      %parallel_loop3A_536 = arith.index_cast %parallel_loop3A_532 : i32 to index
      %parallel_loop3A_537 = tpu.vector_load %parallel_loop3A_535[%parallel_loop3A_536] {strides = array<i32>} : memref<2048xf32, #tpu.memory_space<vmem>>, vector<16xf32>,
      tpu.vector_store %parallel_loop3A_535[%parallel_loop3A_536], %parallel_loop3A_530 {strides = array<i32>} : memref<2048xf32, #tpu.memory_space<vmem>>, vector<16xf32>,
    } {sc.loop_unroll_factor = 8 : i64, sc.parallel_access}
    %dma_start3A_87 = arith.constant 2048 : i32
    %dma_start3A_88 = tpu.memref_slice %arg5[%add3A_26, %dma_start3A_87] : memref<64x16384xf32, #tpu.memory_space<hbm>> -> memref<1x2048xf32, #tpu.memory_space<hbm>>
    %dma_start3A_89 = arith.constant 2048 : i32
    %dma_start3A_90 = tpu.memref_slice %arg5[%add3A_26, %dma_start3A_89] : memref<64x16384xf32, #tpu.memory_space<hbm>> -> memref<1x2048xf32, #tpu.memory_space<hbm>>
    tpu.enqueue_dma source(%arg14 : memref<1x2048xf32, #tpu.memory_space<vmem>>) target(%dma_start3A_90 : memref<1x2048xf32, #tpu.memory_space<hbm>>) target_semaphore(%arg19 : memref<!tpu.dma_semaphore, #tpu.memory_space<semaphore_mem>>)
    %dma_wait3A_91 = arith.constant 0 : i32
    %dma_wait3A_92 = tpu.memref_slice %arg6[%add3A_77, %dma_wait3A_91] : memref<16384x128xf32, #tpu.memory_space<hbm>> -> memref<64x128xf32, #tpu.memory_space<hbm>>
    %dma_wait3A_93 = arith.constant 0 : i32
    %dma_wait3A_94 = tpu.memref_slice %arg6[%add3A_77, %dma_wait3A_93] : memref<16384x128xf32, #tpu.memory_space<hbm>> -> memref<64x128xf32, #tpu.memory_space<hbm>>
    tpu.wait_dma2 semaphore(%arg20 : memref<!tpu.dma_semaphore, #tpu.memory_space<semaphore_mem>>) src(%arg9 : memref<64x128xf32, #tpu.memory_space<vmem>>) dst(%dma_wait3A_94 : memref<64x128xf32, #tpu.memory_space<hbm>>)
    %dma_start3A_95 = arith.constant 192 : i32
    %dma_start3A_96 = tpu.memref_slice %arg7[%dma_start3A_95] : memref<512xi32, #tpu.memory_space<vmem>> -> memref<64xi32, #tpu.memory_space<vmem>>
    %dma_start3A_97 = arith.constant 0 : i32
    %dma_start3A_98 = arith.constant 0 : i32
    %dma_start3A_99 = tpu.memref_slice %arg4[%dma_start3A_97, %dma_start3A_98] : memref<100000x128xf32, #tpu.memory_space<hbm>> -> memref<100000x128xf32, #tpu.memory_space<hbm>>
    tpu.enqueue_indirect_dma source(%dma_start3A_99 : memref<100000x128xf32, #tpu.memory_space<hbm>>) target(%arg9 : memref<64x128xf32, #tpu.memory_space<vmem>>) offsets(%dma_start3A_96 : memref<64xi32, #tpu.memory_space<vmem>>) semaphore(%arg16 : memref<!tpu.dma_semaphore, #tpu.memory_space<semaphore_mem>>)
    %dma_wait3A_100 = arith.constant 4096 : i32
    %dma_wait3A_101 = tpu.memref_slice %arg2[%dma_wait3A_100] : memref<16384xi32, #tpu.memory_space<hbm>> -> memref<2048xi32, #tpu.memory_space<hbm>>
    %dma_wait3A_102 = arith.constant 4096 : i32
    %dma_wait3A_103 = tpu.memref_slice %arg2[%dma_wait3A_102] : memref<16384xi32, #tpu.memory_space<hbm>> -> memref<2048xi32, #tpu.memory_space<hbm>>
    tpu.wait_dma2 semaphore(%arg18 : memref<!tpu.dma_semaphore, #tpu.memory_space<semaphore_mem>>) src(%dma_wait3A_103 : memref<2048xi32, #tpu.memory_space<hbm>>) dst(%arg11 : memref<2048xi32, #tpu.memory_space<vmem>>)
    %dma_start3A_104 = arith.constant 6144 : i32
    %dma_start3A_105 = tpu.memref_slice %arg2[%dma_start3A_104] : memref<16384xi32, #tpu.memory_space<hbm>> -> memref<2048xi32, #tpu.memory_space<hbm>>
    %dma_start3A_106 = arith.constant 6144 : i32
    %dma_start3A_107 = tpu.memref_slice %arg2[%dma_start3A_106] : memref<16384xi32, #tpu.memory_space<hbm>> -> memref<2048xi32, #tpu.memory_space<hbm>>
    tpu.enqueue_dma source(%dma_start3A_107 : memref<2048xi32, #tpu.memory_space<hbm>>) target(%arg12 : memref<2048xi32, #tpu.memory_space<vmem>>) target_semaphore(%arg18 : memref<!tpu.dma_semaphore, #tpu.memory_space<semaphore_mem>>)
    %dma_wait3A_108 = arith.constant 0 : i32
    %dma_wait3A_109 = tpu.memref_slice %arg5[%add3A_26, %dma_wait3A_108] : memref<64x16384xf32, #tpu.memory_space<hbm>> -> memref<1x2048xf32, #tpu.memory_space<hbm>>
    %dma_wait3A_110 = arith.constant 0 : i32
    %dma_wait3A_111 = tpu.memref_slice %arg5[%add3A_26, %dma_wait3A_110] : memref<64x16384xf32, #tpu.memory_space<hbm>> -> memref<1x2048xf32, #tpu.memory_space<hbm>>
    tpu.wait_dma2 semaphore(%arg19 : memref<!tpu.dma_semaphore, #tpu.memory_space<semaphore_mem>>) src(%arg13 : memref<1x2048xf32, #tpu.memory_space<vmem>>) dst(%dma_wait3A_111 : memref<1x2048xf32, #tpu.memory_space<hbm>>)
    %dma_wait3A_112 = arith.constant 128 : i32
    %dma_wait3A_113 = tpu.memref_slice %arg7[%dma_wait3A_112] : memref<512xi32, #tpu.memory_space<vmem>> -> memref<64xi32, #tpu.memory_space<vmem>>
    %dma_wait3A_114 = arith.constant 0 : i32
    %dma_wait3A_115 = arith.constant 0 : i32
    %dma_wait3A_116 = tpu.memref_slice %arg4[%dma_wait3A_114, %dma_wait3A_115] : memref<100000x128xf32, #tpu.memory_space<hbm>> -> memref<100000x128xf32, #tpu.memory_space<hbm>>
    tpu.wait_indirect_dma semaphore(%arg15 : memref<!tpu.dma_semaphore, #tpu.memory_space<semaphore_mem>>) src(%dma_wait3A_116 : memref<100000x128xf32, #tpu.memory_space<hbm>>) dst(%arg8 : memref<64x128xf32, #tpu.memory_space<vmem>>)
    %add3A_117 = arith.constant 128 : i32
    %add3A_118 = arith.addi %mul3A_2, %add3A_117 : i32
    %dma_start3A_119 = arith.constant 0 : i32
    %dma_start3A_120 = tpu.memref_slice %arg6[%add3A_118, %dma_start3A_119] : memref<16384x128xf32, #tpu.memory_space<hbm>> -> memref<64x128xf32, #tpu.memory_space<hbm>>
    %dma_start3A_121 = arith.constant 0 : i32
    %dma_start3A_122 = tpu.memref_slice %arg6[%add3A_118, %dma_start3A_121] : memref<16384x128xf32, #tpu.memory_space<hbm>> -> memref<64x128xf32, #tpu.memory_space<hbm>>
    tpu.enqueue_dma source(%arg8 : memref<64x128xf32, #tpu.memory_space<vmem>>) target(%dma_start3A_122 : memref<64x128xf32, #tpu.memory_space<hbm>>) target_semaphore(%arg20 : memref<!tpu.dma_semaphore, #tpu.memory_space<semaphore_mem>>)
    %parallel_loop3A_123 = arith.constant 0 : i32
    %parallel_loop3A_124 = arith.constant 128 : i32
    %parallel_loop3A_125 = arith.constant 1 : i32
    %parallel_loop3A_126 = arith.constant 0 : i32
    %parallel_loop3A_127 = arith.constant 0 : i32
    scf.for %parallel_loop3A_522 = %parallel_loop3A_123 to %parallel_loop3A_124 step %parallel_loop3A_125  : i32 {
      %parallel_loop3A_523 = arith.constant 16 : i32
      %parallel_loop3A_524 = arith.muli %parallel_loop3A_522, %parallel_loop3A_523 : i32
      %parallel_loop3A_525 = arith.index_cast %parallel_loop3A_524 : i32 to index
      %parallel_loop3A_526 = tpu.vector_load %arg11[%parallel_loop3A_525] {strides = array<i32>} : memref<2048xi32, #tpu.memory_space<vmem>>, vector<16xi32>,
      %parallel_loop3A_527 = arith.constant 0 : i32
      %parallel_loop3A_528 = tpu.memref_slice %arg10[%parallel_loop3A_126, %parallel_loop3A_527] : memref<1x100000xf32, #tpu.memory_space<vmem>> -> memref<1x100000xf32, #tpu.memory_space<vmem>>
      %parallel_loop3A_529 = tpu.memref_squeeze %parallel_loop3A_528 : memref<1x100000xf32, #tpu.memory_space<vmem>> -> memref<100000xf32, #tpu.memory_space<vmem>>
      %parallel_loop3A_530 = tpu.vector_load_idx %parallel_loop3A_529[%parallel_loop3A_526] : memref<100000xf32, #tpu.memory_space<vmem>>[vector<16xi32>], vector<16xf32>,
      %parallel_loop3A_531 = arith.constant 16 : i32
      %parallel_loop3A_532 = arith.muli %parallel_loop3A_522, %parallel_loop3A_531 : i32
      %parallel_loop3A_533 = arith.constant 0 : i32
      %parallel_loop3A_534 = tpu.memref_slice %arg13[%parallel_loop3A_127, %parallel_loop3A_533] : memref<1x2048xf32, #tpu.memory_space<vmem>> -> memref<1x2048xf32, #tpu.memory_space<vmem>>
      %parallel_loop3A_535 = tpu.memref_squeeze %parallel_loop3A_534 : memref<1x2048xf32, #tpu.memory_space<vmem>> -> memref<2048xf32, #tpu.memory_space<vmem>>
      %parallel_loop3A_536 = arith.index_cast %parallel_loop3A_532 : i32 to index
      %parallel_loop3A_537 = tpu.vector_load %parallel_loop3A_535[%parallel_loop3A_536] {strides = array<i32>} : memref<2048xf32, #tpu.memory_space<vmem>>, vector<16xf32>,
      tpu.vector_store %parallel_loop3A_535[%parallel_loop3A_536], %parallel_loop3A_530 {strides = array<i32>} : memref<2048xf32, #tpu.memory_space<vmem>>, vector<16xf32>,
    } {sc.loop_unroll_factor = 8 : i64, sc.parallel_access}
    %dma_start3A_128 = arith.constant 4096 : i32
    %dma_start3A_129 = tpu.memref_slice %arg5[%add3A_26, %dma_start3A_128] : memref<64x16384xf32, #tpu.memory_space<hbm>> -> memref<1x2048xf32, #tpu.memory_space<hbm>>
    %dma_start3A_130 = arith.constant 4096 : i32
    %dma_start3A_131 = tpu.memref_slice %arg5[%add3A_26, %dma_start3A_130] : memref<64x16384xf32, #tpu.memory_space<hbm>> -> memref<1x2048xf32, #tpu.memory_space<hbm>>
    tpu.enqueue_dma source(%arg13 : memref<1x2048xf32, #tpu.memory_space<vmem>>) target(%dma_start3A_131 : memref<1x2048xf32, #tpu.memory_space<hbm>>) target_semaphore(%arg19 : memref<!tpu.dma_semaphore, #tpu.memory_space<semaphore_mem>>)
    %dma_wait3A_132 = arith.constant 0 : i32
    %dma_wait3A_133 = tpu.memref_slice %arg6[%add3A_118, %dma_wait3A_132] : memref<16384x128xf32, #tpu.memory_space<hbm>> -> memref<64x128xf32, #tpu.memory_space<hbm>>
    %dma_wait3A_134 = arith.constant 0 : i32
    %dma_wait3A_135 = tpu.memref_slice %arg6[%add3A_118, %dma_wait3A_134] : memref<16384x128xf32, #tpu.memory_space<hbm>> -> memref<64x128xf32, #tpu.memory_space<hbm>>
    tpu.wait_dma2 semaphore(%arg20 : memref<!tpu.dma_semaphore, #tpu.memory_space<semaphore_mem>>) src(%arg8 : memref<64x128xf32, #tpu.memory_space<vmem>>) dst(%dma_wait3A_135 : memref<64x128xf32, #tpu.memory_space<hbm>>)
    %dma_start3A_136 = arith.constant 256 : i32
    %dma_start3A_137 = tpu.memref_slice %arg7[%dma_start3A_136] : memref<512xi32, #tpu.memory_space<vmem>> -> memref<64xi32, #tpu.memory_space<vmem>>
    %dma_start3A_138 = arith.constant 0 : i32
    %dma_start3A_139 = arith.constant 0 : i32
    %dma_start3A_140 = tpu.memref_slice %arg4[%dma_start3A_138, %dma_start3A_139] : memref<100000x128xf32, #tpu.memory_space<hbm>> -> memref<100000x128xf32, #tpu.memory_space<hbm>>
    tpu.enqueue_indirect_dma source(%dma_start3A_140 : memref<100000x128xf32, #tpu.memory_space<hbm>>) target(%arg8 : memref<64x128xf32, #tpu.memory_space<vmem>>) offsets(%dma_start3A_137 : memref<64xi32, #tpu.memory_space<vmem>>) semaphore(%arg15 : memref<!tpu.dma_semaphore, #tpu.memory_space<semaphore_mem>>)
    %dma_wait3A_141 = arith.constant 6144 : i32
    %dma_wait3A_142 = tpu.memref_slice %arg2[%dma_wait3A_141] : memref<16384xi32, #tpu.memory_space<hbm>> -> memref<2048xi32, #tpu.memory_space<hbm>>
    %dma_wait3A_143 = arith.constant 6144 : i32
    %dma_wait3A_144 = tpu.memref_slice %arg2[%dma_wait3A_143] : memref<16384xi32, #tpu.memory_space<hbm>> -> memref<2048xi32, #tpu.memory_space<hbm>>
    tpu.wait_dma2 semaphore(%arg18 : memref<!tpu.dma_semaphore, #tpu.memory_space<semaphore_mem>>) src(%dma_wait3A_144 : memref<2048xi32, #tpu.memory_space<hbm>>) dst(%arg12 : memref<2048xi32, #tpu.memory_space<vmem>>)
    %dma_start3A_145 = arith.constant 8192 : i32
    %dma_start3A_146 = tpu.memref_slice %arg2[%dma_start3A_145] : memref<16384xi32, #tpu.memory_space<hbm>> -> memref<2048xi32, #tpu.memory_space<hbm>>
    %dma_start3A_147 = arith.constant 8192 : i32
    %dma_start3A_148 = tpu.memref_slice %arg2[%dma_start3A_147] : memref<16384xi32, #tpu.memory_space<hbm>> -> memref<2048xi32, #tpu.memory_space<hbm>>
    tpu.enqueue_dma source(%dma_start3A_148 : memref<2048xi32, #tpu.memory_space<hbm>>) target(%arg11 : memref<2048xi32, #tpu.memory_space<vmem>>) target_semaphore(%arg18 : memref<!tpu.dma_semaphore, #tpu.memory_space<semaphore_mem>>)
    %dma_wait3A_149 = arith.constant 2048 : i32
    %dma_wait3A_150 = tpu.memref_slice %arg5[%add3A_26, %dma_wait3A_149] : memref<64x16384xf32, #tpu.memory_space<hbm>> -> memref<1x2048xf32, #tpu.memory_space<hbm>>
    %dma_wait3A_151 = arith.constant 2048 : i32
    %dma_wait3A_152 = tpu.memref_slice %arg5[%add3A_26, %dma_wait3A_151] : memref<64x16384xf32, #tpu.memory_space<hbm>> -> memref<1x2048xf32, #tpu.memory_space<hbm>>
    tpu.wait_dma2 semaphore(%arg19 : memref<!tpu.dma_semaphore, #tpu.memory_space<semaphore_mem>>) src(%arg14 : memref<1x2048xf32, #tpu.memory_space<vmem>>) dst(%dma_wait3A_152 : memref<1x2048xf32, #tpu.memory_space<hbm>>)
    %dma_wait3A_153 = arith.constant 192 : i32
    %dma_wait3A_154 = tpu.memref_slice %arg7[%dma_wait3A_153] : memref<512xi32, #tpu.memory_space<vmem>> -> memref<64xi32, #tpu.memory_space<vmem>>
    %dma_wait3A_155 = arith.constant 0 : i32
    %dma_wait3A_156 = arith.constant 0 : i32
    %dma_wait3A_157 = tpu.memref_slice %arg4[%dma_wait3A_155, %dma_wait3A_156] : memref<100000x128xf32, #tpu.memory_space<hbm>> -> memref<100000x128xf32, #tpu.memory_space<hbm>>
    tpu.wait_indirect_dma semaphore(%arg16 : memref<!tpu.dma_semaphore, #tpu.memory_space<semaphore_mem>>) src(%dma_wait3A_157 : memref<100000x128xf32, #tpu.memory_space<hbm>>) dst(%arg9 : memref<64x128xf32, #tpu.memory_space<vmem>>)
    %add3A_158 = arith.constant 192 : i32
    %add3A_159 = arith.addi %mul3A_2, %add3A_158 : i32
    %dma_start3A_160 = arith.constant 0 : i32
    %dma_start3A_161 = tpu.memref_slice %arg6[%add3A_159, %dma_start3A_160] : memref<16384x128xf32, #tpu.memory_space<hbm>> -> memref<64x128xf32, #tpu.memory_space<hbm>>
    %dma_start3A_162 = arith.constant 0 : i32
    %dma_start3A_163 = tpu.memref_slice %arg6[%add3A_159, %dma_start3A_162] : memref<16384x128xf32, #tpu.memory_space<hbm>> -> memref<64x128xf32, #tpu.memory_space<hbm>>
    tpu.enqueue_dma source(%arg9 : memref<64x128xf32, #tpu.memory_space<vmem>>) target(%dma_start3A_163 : memref<64x128xf32, #tpu.memory_space<hbm>>) target_semaphore(%arg20 : memref<!tpu.dma_semaphore, #tpu.memory_space<semaphore_mem>>)
    %parallel_loop3A_164 = arith.constant 0 : i32
    %parallel_loop3A_165 = arith.constant 128 : i32
    %parallel_loop3A_166 = arith.constant 1 : i32
    %parallel_loop3A_167 = arith.constant 0 : i32
    %parallel_loop3A_168 = arith.constant 0 : i32
    scf.for %parallel_loop3A_522 = %parallel_loop3A_164 to %parallel_loop3A_165 step %parallel_loop3A_166  : i32 {
      %parallel_loop3A_523 = arith.constant 16 : i32
      %parallel_loop3A_524 = arith.muli %parallel_loop3A_522, %parallel_loop3A_523 : i32
      %parallel_loop3A_525 = arith.index_cast %parallel_loop3A_524 : i32 to index
      %parallel_loop3A_526 = tpu.vector_load %arg12[%parallel_loop3A_525] {strides = array<i32>} : memref<2048xi32, #tpu.memory_space<vmem>>, vector<16xi32>,
      %parallel_loop3A_527 = arith.constant 0 : i32
      %parallel_loop3A_528 = tpu.memref_slice %arg10[%parallel_loop3A_167, %parallel_loop3A_527] : memref<1x100000xf32, #tpu.memory_space<vmem>> -> memref<1x100000xf32, #tpu.memory_space<vmem>>
      %parallel_loop3A_529 = tpu.memref_squeeze %parallel_loop3A_528 : memref<1x100000xf32, #tpu.memory_space<vmem>> -> memref<100000xf32, #tpu.memory_space<vmem>>
      %parallel_loop3A_530 = tpu.vector_load_idx %parallel_loop3A_529[%parallel_loop3A_526] : memref<100000xf32, #tpu.memory_space<vmem>>[vector<16xi32>], vector<16xf32>,
      %parallel_loop3A_531 = arith.constant 16 : i32
      %parallel_loop3A_532 = arith.muli %parallel_loop3A_522, %parallel_loop3A_531 : i32
      %parallel_loop3A_533 = arith.constant 0 : i32
      %parallel_loop3A_534 = tpu.memref_slice %arg14[%parallel_loop3A_168, %parallel_loop3A_533] : memref<1x2048xf32, #tpu.memory_space<vmem>> -> memref<1x2048xf32, #tpu.memory_space<vmem>>
      %parallel_loop3A_535 = tpu.memref_squeeze %parallel_loop3A_534 : memref<1x2048xf32, #tpu.memory_space<vmem>> -> memref<2048xf32, #tpu.memory_space<vmem>>
      %parallel_loop3A_536 = arith.index_cast %parallel_loop3A_532 : i32 to index
      %parallel_loop3A_537 = tpu.vector_load %parallel_loop3A_535[%parallel_loop3A_536] {strides = array<i32>} : memref<2048xf32, #tpu.memory_space<vmem>>, vector<16xf32>,
      tpu.vector_store %parallel_loop3A_535[%parallel_loop3A_536], %parallel_loop3A_530 {strides = array<i32>} : memref<2048xf32, #tpu.memory_space<vmem>>, vector<16xf32>,
    } {sc.loop_unroll_factor = 8 : i64, sc.parallel_access}
    %dma_start3A_169 = arith.constant 6144 : i32
    %dma_start3A_170 = tpu.memref_slice %arg5[%add3A_26, %dma_start3A_169] : memref<64x16384xf32, #tpu.memory_space<hbm>> -> memref<1x2048xf32, #tpu.memory_space<hbm>>
    %dma_start3A_171 = arith.constant 6144 : i32
    %dma_start3A_172 = tpu.memref_slice %arg5[%add3A_26, %dma_start3A_171] : memref<64x16384xf32, #tpu.memory_space<hbm>> -> memref<1x2048xf32, #tpu.memory_space<hbm>>
    tpu.enqueue_dma source(%arg14 : memref<1x2048xf32, #tpu.memory_space<vmem>>) target(%dma_start3A_172 : memref<1x2048xf32, #tpu.memory_space<hbm>>) target_semaphore(%arg19 : memref<!tpu.dma_semaphore, #tpu.memory_space<semaphore_mem>>)
    %dma_wait3A_173 = arith.constant 0 : i32
    %dma_wait3A_174 = tpu.memref_slice %arg6[%add3A_159, %dma_wait3A_173] : memref<16384x128xf32, #tpu.memory_space<hbm>> -> memref<64x128xf32, #tpu.memory_space<hbm>>
    %dma_wait3A_175 = arith.constant 0 : i32
    %dma_wait3A_176 = tpu.memref_slice %arg6[%add3A_159, %dma_wait3A_175] : memref<16384x128xf32, #tpu.memory_space<hbm>> -> memref<64x128xf32, #tpu.memory_space<hbm>>
    tpu.wait_dma2 semaphore(%arg20 : memref<!tpu.dma_semaphore, #tpu.memory_space<semaphore_mem>>) src(%arg9 : memref<64x128xf32, #tpu.memory_space<vmem>>) dst(%dma_wait3A_176 : memref<64x128xf32, #tpu.memory_space<hbm>>)
    %dma_start3A_177 = arith.constant 320 : i32
    %dma_start3A_178 = tpu.memref_slice %arg7[%dma_start3A_177] : memref<512xi32, #tpu.memory_space<vmem>> -> memref<64xi32, #tpu.memory_space<vmem>>
    %dma_start3A_179 = arith.constant 0 : i32
    %dma_start3A_180 = arith.constant 0 : i32
    %dma_start3A_181 = tpu.memref_slice %arg4[%dma_start3A_179, %dma_start3A_180] : memref<100000x128xf32, #tpu.memory_space<hbm>> -> memref<100000x128xf32, #tpu.memory_space<hbm>>
    tpu.enqueue_indirect_dma source(%dma_start3A_181 : memref<100000x128xf32, #tpu.memory_space<hbm>>) target(%arg9 : memref<64x128xf32, #tpu.memory_space<vmem>>) offsets(%dma_start3A_178 : memref<64xi32, #tpu.memory_space<vmem>>) semaphore(%arg16 : memref<!tpu.dma_semaphore, #tpu.memory_space<semaphore_mem>>)
    %dma_wait3A_182 = arith.constant 8192 : i32
    %dma_wait3A_183 = tpu.memref_slice %arg2[%dma_wait3A_182] : memref<16384xi32, #tpu.memory_space<hbm>> -> memref<2048xi32, #tpu.memory_space<hbm>>
    %dma_wait3A_184 = arith.constant 8192 : i32
    %dma_wait3A_185 = tpu.memref_slice %arg2[%dma_wait3A_184] : memref<16384xi32, #tpu.memory_space<hbm>> -> memref<2048xi32, #tpu.memory_space<hbm>>
    tpu.wait_dma2 semaphore(%arg18 : memref<!tpu.dma_semaphore, #tpu.memory_space<semaphore_mem>>) src(%dma_wait3A_185 : memref<2048xi32, #tpu.memory_space<hbm>>) dst(%arg11 : memref<2048xi32, #tpu.memory_space<vmem>>)
    %dma_start3A_186 = arith.constant 10240 : i32
    %dma_start3A_187 = tpu.memref_slice %arg2[%dma_start3A_186] : memref<16384xi32, #tpu.memory_space<hbm>> -> memref<2048xi32, #tpu.memory_space<hbm>>
    %dma_start3A_188 = arith.constant 10240 : i32
    %dma_start3A_189 = tpu.memref_slice %arg2[%dma_start3A_188] : memref<16384xi32, #tpu.memory_space<hbm>> -> memref<2048xi32, #tpu.memory_space<hbm>>
    tpu.enqueue_dma source(%dma_start3A_189 : memref<2048xi32, #tpu.memory_space<hbm>>) target(%arg12 : memref<2048xi32, #tpu.memory_space<vmem>>) target_semaphore(%arg18 : memref<!tpu.dma_semaphore, #tpu.memory_space<semaphore_mem>>)
    %dma_wait3A_190 = arith.constant 4096 : i32
    %dma_wait3A_191 = tpu.memref_slice %arg5[%add3A_26, %dma_wait3A_190] : memref<64x16384xf32, #tpu.memory_space<hbm>> -> memref<1x2048xf32, #tpu.memory_space<hbm>>
    %dma_wait3A_192 = arith.constant 4096 : i32
    %dma_wait3A_193 = tpu.memref_slice %arg5[%add3A_26, %dma_wait3A_192] : memref<64x16384xf32, #tpu.memory_space<hbm>> -> memref<1x2048xf32, #tpu.memory_space<hbm>>
    tpu.wait_dma2 semaphore(%arg19 : memref<!tpu.dma_semaphore, #tpu.memory_space<semaphore_mem>>) src(%arg13 : memref<1x2048xf32, #tpu.memory_space<vmem>>) dst(%dma_wait3A_193 : memref<1x2048xf32, #tpu.memory_space<hbm>>)
    %dma_wait3A_194 = arith.constant 256 : i32
    %dma_wait3A_195 = tpu.memref_slice %arg7[%dma_wait3A_194] : memref<512xi32, #tpu.memory_space<vmem>> -> memref<64xi32, #tpu.memory_space<vmem>>
    %dma_wait3A_196 = arith.constant 0 : i32
    %dma_wait3A_197 = arith.constant 0 : i32
    %dma_wait3A_198 = tpu.memref_slice %arg4[%dma_wait3A_196, %dma_wait3A_197] : memref<100000x128xf32, #tpu.memory_space<hbm>> -> memref<100000x128xf32, #tpu.memory_space<hbm>>
    tpu.wait_indirect_dma semaphore(%arg15 : memref<!tpu.dma_semaphore, #tpu.memory_space<semaphore_mem>>) src(%dma_wait3A_198 : memref<100000x128xf32, #tpu.memory_space<hbm>>) dst(%arg8 : memref<64x128xf32, #tpu.memory_space<vmem>>)
    %add3A_199 = arith.constant 256 : i32
    %add3A_200 = arith.addi %mul3A_2, %add3A_199 : i32
    %dma_start3A_201 = arith.constant 0 : i32
    %dma_start3A_202 = tpu.memref_slice %arg6[%add3A_200, %dma_start3A_201] : memref<16384x128xf32, #tpu.memory_space<hbm>> -> memref<64x128xf32, #tpu.memory_space<hbm>>
    %dma_start3A_203 = arith.constant 0 : i32
    %dma_start3A_204 = tpu.memref_slice %arg6[%add3A_200, %dma_start3A_203] : memref<16384x128xf32, #tpu.memory_space<hbm>> -> memref<64x128xf32, #tpu.memory_space<hbm>>
    tpu.enqueue_dma source(%arg8 : memref<64x128xf32, #tpu.memory_space<vmem>>) target(%dma_start3A_204 : memref<64x128xf32, #tpu.memory_space<hbm>>) target_semaphore(%arg20 : memref<!tpu.dma_semaphore, #tpu.memory_space<semaphore_mem>>)
    %parallel_loop3A_205 = arith.constant 0 : i32
    %parallel_loop3A_206 = arith.constant 128 : i32
    %parallel_loop3A_207 = arith.constant 1 : i32
    %parallel_loop3A_208 = arith.constant 0 : i32
    %parallel_loop3A_209 = arith.constant 0 : i32
    scf.for %parallel_loop3A_522 = %parallel_loop3A_205 to %parallel_loop3A_206 step %parallel_loop3A_207  : i32 {
      %parallel_loop3A_523 = arith.constant 16 : i32
      %parallel_loop3A_524 = arith.muli %parallel_loop3A_522, %parallel_loop3A_523 : i32
      %parallel_loop3A_525 = arith.index_cast %parallel_loop3A_524 : i32 to index
      %parallel_loop3A_526 = tpu.vector_load %arg11[%parallel_loop3A_525] {strides = array<i32>} : memref<2048xi32, #tpu.memory_space<vmem>>, vector<16xi32>,
      %parallel_loop3A_527 = arith.constant 0 : i32
      %parallel_loop3A_528 = tpu.memref_slice %arg10[%parallel_loop3A_208, %parallel_loop3A_527] : memref<1x100000xf32, #tpu.memory_space<vmem>> -> memref<1x100000xf32, #tpu.memory_space<vmem>>
      %parallel_loop3A_529 = tpu.memref_squeeze %parallel_loop3A_528 : memref<1x100000xf32, #tpu.memory_space<vmem>> -> memref<100000xf32, #tpu.memory_space<vmem>>
      %parallel_loop3A_530 = tpu.vector_load_idx %parallel_loop3A_529[%parallel_loop3A_526] : memref<100000xf32, #tpu.memory_space<vmem>>[vector<16xi32>], vector<16xf32>,
      %parallel_loop3A_531 = arith.constant 16 : i32
      %parallel_loop3A_532 = arith.muli %parallel_loop3A_522, %parallel_loop3A_531 : i32
      %parallel_loop3A_533 = arith.constant 0 : i32
      %parallel_loop3A_534 = tpu.memref_slice %arg13[%parallel_loop3A_209, %parallel_loop3A_533] : memref<1x2048xf32, #tpu.memory_space<vmem>> -> memref<1x2048xf32, #tpu.memory_space<vmem>>
      %parallel_loop3A_535 = tpu.memref_squeeze %parallel_loop3A_534 : memref<1x2048xf32, #tpu.memory_space<vmem>> -> memref<2048xf32, #tpu.memory_space<vmem>>
      %parallel_loop3A_536 = arith.index_cast %parallel_loop3A_532 : i32 to index
      %parallel_loop3A_537 = tpu.vector_load %parallel_loop3A_535[%parallel_loop3A_536] {strides = array<i32>} : memref<2048xf32, #tpu.memory_space<vmem>>, vector<16xf32>,
      tpu.vector_store %parallel_loop3A_535[%parallel_loop3A_536], %parallel_loop3A_530 {strides = array<i32>} : memref<2048xf32, #tpu.memory_space<vmem>>, vector<16xf32>,
    } {sc.loop_unroll_factor = 8 : i64, sc.parallel_access}
    %dma_start3A_210 = arith.constant 8192 : i32
    %dma_start3A_211 = tpu.memref_slice %arg5[%add3A_26, %dma_start3A_210] : memref<64x16384xf32, #tpu.memory_space<hbm>> -> memref<1x2048xf32, #tpu.memory_space<hbm>>
    %dma_start3A_212 = arith.constant 8192 : i32
    %dma_start3A_213 = tpu.memref_slice %arg5[%add3A_26, %dma_start3A_212] : memref<64x16384xf32, #tpu.memory_space<hbm>> -> memref<1x2048xf32, #tpu.memory_space<hbm>>
    tpu.enqueue_dma source(%arg13 : memref<1x2048xf32, #tpu.memory_space<vmem>>) target(%dma_start3A_213 : memref<1x2048xf32, #tpu.memory_space<hbm>>) target_semaphore(%arg19 : memref<!tpu.dma_semaphore, #tpu.memory_space<semaphore_mem>>)
    %dma_wait3A_214 = arith.constant 0 : i32
    %dma_wait3A_215 = tpu.memref_slice %arg6[%add3A_200, %dma_wait3A_214] : memref<16384x128xf32, #tpu.memory_space<hbm>> -> memref<64x128xf32, #tpu.memory_space<hbm>>
    %dma_wait3A_216 = arith.constant 0 : i32
    %dma_wait3A_217 = tpu.memref_slice %arg6[%add3A_200, %dma_wait3A_216] : memref<16384x128xf32, #tpu.memory_space<hbm>> -> memref<64x128xf32, #tpu.memory_space<hbm>>
    tpu.wait_dma2 semaphore(%arg20 : memref<!tpu.dma_semaphore, #tpu.memory_space<semaphore_mem>>) src(%arg8 : memref<64x128xf32, #tpu.memory_space<vmem>>) dst(%dma_wait3A_217 : memref<64x128xf32, #tpu.memory_space<hbm>>)
    %dma_start3A_218 = arith.constant 384 : i32
    %dma_start3A_219 = tpu.memref_slice %arg7[%dma_start3A_218] : memref<512xi32, #tpu.memory_space<vmem>> -> memref<64xi32, #tpu.memory_space<vmem>>
    %dma_start3A_220 = arith.constant 0 : i32
    %dma_start3A_221 = arith.constant 0 : i32
    %dma_start3A_222 = tpu.memref_slice %arg4[%dma_start3A_220, %dma_start3A_221] : memref<100000x128xf32, #tpu.memory_space<hbm>> -> memref<100000x128xf32, #tpu.memory_space<hbm>>
    tpu.enqueue_indirect_dma source(%dma_start3A_222 : memref<100000x128xf32, #tpu.memory_space<hbm>>) target(%arg8 : memref<64x128xf32, #tpu.memory_space<vmem>>) offsets(%dma_start3A_219 : memref<64xi32, #tpu.memory_space<vmem>>) semaphore(%arg15 : memref<!tpu.dma_semaphore, #tpu.memory_space<semaphore_mem>>)
    %dma_wait3A_223 = arith.constant 10240 : i32
    %dma_wait3A_224 = tpu.memref_slice %arg2[%dma_wait3A_223] : memref<16384xi32, #tpu.memory_space<hbm>> -> memref<2048xi32, #tpu.memory_space<hbm>>
    %dma_wait3A_225 = arith.constant 10240 : i32
    %dma_wait3A_226 = tpu.memref_slice %arg2[%dma_wait3A_225] : memref<16384xi32, #tpu.memory_space<hbm>> -> memref<2048xi32, #tpu.memory_space<hbm>>
    tpu.wait_dma2 semaphore(%arg18 : memref<!tpu.dma_semaphore, #tpu.memory_space<semaphore_mem>>) src(%dma_wait3A_226 : memref<2048xi32, #tpu.memory_space<hbm>>) dst(%arg12 : memref<2048xi32, #tpu.memory_space<vmem>>)
    %dma_start3A_227 = arith.constant 12288 : i32
    %dma_start3A_228 = tpu.memref_slice %arg2[%dma_start3A_227] : memref<16384xi32, #tpu.memory_space<hbm>> -> memref<2048xi32, #tpu.memory_space<hbm>>
    %dma_start3A_229 = arith.constant 12288 : i32
    %dma_start3A_230 = tpu.memref_slice %arg2[%dma_start3A_229] : memref<16384xi32, #tpu.memory_space<hbm>> -> memref<2048xi32, #tpu.memory_space<hbm>>
    tpu.enqueue_dma source(%dma_start3A_230 : memref<2048xi32, #tpu.memory_space<hbm>>) target(%arg11 : memref<2048xi32, #tpu.memory_space<vmem>>) target_semaphore(%arg18 : memref<!tpu.dma_semaphore, #tpu.memory_space<semaphore_mem>>)
    %dma_wait3A_231 = arith.constant 6144 : i32
    %dma_wait3A_232 = tpu.memref_slice %arg5[%add3A_26, %dma_wait3A_231] : memref<64x16384xf32, #tpu.memory_space<hbm>> -> memref<1x2048xf32, #tpu.memory_space<hbm>>
    %dma_wait3A_233 = arith.constant 6144 : i32
    %dma_wait3A_234 = tpu.memref_slice %arg5[%add3A_26, %dma_wait3A_233] : memref<64x16384xf32, #tpu.memory_space<hbm>> -> memref<1x2048xf32, #tpu.memory_space<hbm>>
    tpu.wait_dma2 semaphore(%arg19 : memref<!tpu.dma_semaphore, #tpu.memory_space<semaphore_mem>>) src(%arg14 : memref<1x2048xf32, #tpu.memory_space<vmem>>) dst(%dma_wait3A_234 : memref<1x2048xf32, #tpu.memory_space<hbm>>)
    %dma_wait3A_235 = arith.constant 320 : i32
    %dma_wait3A_236 = tpu.memref_slice %arg7[%dma_wait3A_235] : memref<512xi32, #tpu.memory_space<vmem>> -> memref<64xi32, #tpu.memory_space<vmem>>
    %dma_wait3A_237 = arith.constant 0 : i32
    %dma_wait3A_238 = arith.constant 0 : i32
    %dma_wait3A_239 = tpu.memref_slice %arg4[%dma_wait3A_237, %dma_wait3A_238] : memref<100000x128xf32, #tpu.memory_space<hbm>> -> memref<100000x128xf32, #tpu.memory_space<hbm>>
    tpu.wait_indirect_dma semaphore(%arg16 : memref<!tpu.dma_semaphore, #tpu.memory_space<semaphore_mem>>) src(%dma_wait3A_239 : memref<100000x128xf32, #tpu.memory_space<hbm>>) dst(%arg9 : memref<64x128xf32, #tpu.memory_space<vmem>>)
    %add3A_240 = arith.constant 320 : i32
    %add3A_241 = arith.addi %mul3A_2, %add3A_240 : i32
    %dma_start3A_242 = arith.constant 0 : i32
    %dma_start3A_243 = tpu.memref_slice %arg6[%add3A_241, %dma_start3A_242] : memref<16384x128xf32, #tpu.memory_space<hbm>> -> memref<64x128xf32, #tpu.memory_space<hbm>>
    %dma_start3A_244 = arith.constant 0 : i32
    %dma_start3A_245 = tpu.memref_slice %arg6[%add3A_241, %dma_start3A_244] : memref<16384x128xf32, #tpu.memory_space<hbm>> -> memref<64x128xf32, #tpu.memory_space<hbm>>
    tpu.enqueue_dma source(%arg9 : memref<64x128xf32, #tpu.memory_space<vmem>>) target(%dma_start3A_245 : memref<64x128xf32, #tpu.memory_space<hbm>>) target_semaphore(%arg20 : memref<!tpu.dma_semaphore, #tpu.memory_space<semaphore_mem>>)
    %parallel_loop3A_246 = arith.constant 0 : i32
    %parallel_loop3A_247 = arith.constant 128 : i32
    %parallel_loop3A_248 = arith.constant 1 : i32
    %parallel_loop3A_249 = arith.constant 0 : i32
    %parallel_loop3A_250 = arith.constant 0 : i32
    scf.for %parallel_loop3A_522 = %parallel_loop3A_246 to %parallel_loop3A_247 step %parallel_loop3A_248  : i32 {
      %parallel_loop3A_523 = arith.constant 16 : i32
      %parallel_loop3A_524 = arith.muli %parallel_loop3A_522, %parallel_loop3A_523 : i32
      %parallel_loop3A_525 = arith.index_cast %parallel_loop3A_524 : i32 to index
      %parallel_loop3A_526 = tpu.vector_load %arg12[%parallel_loop3A_525] {strides = array<i32>} : memref<2048xi32, #tpu.memory_space<vmem>>, vector<16xi32>,
      %parallel_loop3A_527 = arith.constant 0 : i32
      %parallel_loop3A_528 = tpu.memref_slice %arg10[%parallel_loop3A_249, %parallel_loop3A_527] : memref<1x100000xf32, #tpu.memory_space<vmem>> -> memref<1x100000xf32, #tpu.memory_space<vmem>>
      %parallel_loop3A_529 = tpu.memref_squeeze %parallel_loop3A_528 : memref<1x100000xf32, #tpu.memory_space<vmem>> -> memref<100000xf32, #tpu.memory_space<vmem>>
      %parallel_loop3A_530 = tpu.vector_load_idx %parallel_loop3A_529[%parallel_loop3A_526] : memref<100000xf32, #tpu.memory_space<vmem>>[vector<16xi32>], vector<16xf32>,
      %parallel_loop3A_531 = arith.constant 16 : i32
      %parallel_loop3A_532 = arith.muli %parallel_loop3A_522, %parallel_loop3A_531 : i32
      %parallel_loop3A_533 = arith.constant 0 : i32
      %parallel_loop3A_534 = tpu.memref_slice %arg14[%parallel_loop3A_250, %parallel_loop3A_533] : memref<1x2048xf32, #tpu.memory_space<vmem>> -> memref<1x2048xf32, #tpu.memory_space<vmem>>
      %parallel_loop3A_535 = tpu.memref_squeeze %parallel_loop3A_534 : memref<1x2048xf32, #tpu.memory_space<vmem>> -> memref<2048xf32, #tpu.memory_space<vmem>>
      %parallel_loop3A_536 = arith.index_cast %parallel_loop3A_532 : i32 to index
      %parallel_loop3A_537 = tpu.vector_load %parallel_loop3A_535[%parallel_loop3A_536] {strides = array<i32>} : memref<2048xf32, #tpu.memory_space<vmem>>, vector<16xf32>,
      tpu.vector_store %parallel_loop3A_535[%parallel_loop3A_536], %parallel_loop3A_530 {strides = array<i32>} : memref<2048xf32, #tpu.memory_space<vmem>>, vector<16xf32>,
    } {sc.loop_unroll_factor = 8 : i64, sc.parallel_access}
    %dma_start3A_251 = arith.constant 10240 : i32
    %dma_start3A_252 = tpu.memref_slice %arg5[%add3A_26, %dma_start3A_251] : memref<64x16384xf32, #tpu.memory_space<hbm>> -> memref<1x2048xf32, #tpu.memory_space<hbm>>
    %dma_start3A_253 = arith.constant 10240 : i32
    %dma_start3A_254 = tpu.memref_slice %arg5[%add3A_26, %dma_start3A_253] : memref<64x16384xf32, #tpu.memory_space<hbm>> -> memref<1x2048xf32, #tpu.memory_space<hbm>>
    tpu.enqueue_dma source(%arg14 : memref<1x2048xf32, #tpu.memory_space<vmem>>) target(%dma_start3A_254 : memref<1x2048xf32, #tpu.memory_space<hbm>>) target_semaphore(%arg19 : memref<!tpu.dma_semaphore, #tpu.memory_space<semaphore_mem>>)
    %dma_wait3A_255 = arith.constant 0 : i32
    %dma_wait3A_256 = tpu.memref_slice %arg6[%add3A_241, %dma_wait3A_255] : memref<16384x128xf32, #tpu.memory_space<hbm>> -> memref<64x128xf32, #tpu.memory_space<hbm>>
    %dma_wait3A_257 = arith.constant 0 : i32
    %dma_wait3A_258 = tpu.memref_slice %arg6[%add3A_241, %dma_wait3A_257] : memref<16384x128xf32, #tpu.memory_space<hbm>> -> memref<64x128xf32, #tpu.memory_space<hbm>>
    tpu.wait_dma2 semaphore(%arg20 : memref<!tpu.dma_semaphore, #tpu.memory_space<semaphore_mem>>) src(%arg9 : memref<64x128xf32, #tpu.memory_space<vmem>>) dst(%dma_wait3A_258 : memref<64x128xf32, #tpu.memory_space<hbm>>)
    %dma_start3A_259 = arith.constant 448 : i32
    %dma_start3A_260 = tpu.memref_slice %arg7[%dma_start3A_259] : memref<512xi32, #tpu.memory_space<vmem>> -> memref<64xi32, #tpu.memory_space<vmem>>
    %dma_start3A_261 = arith.constant 0 : i32
    %dma_start3A_262 = arith.constant 0 : i32
    %dma_start3A_263 = tpu.memref_slice %arg4[%dma_start3A_261, %dma_start3A_262] : memref<100000x128xf32, #tpu.memory_space<hbm>> -> memref<100000x128xf32, #tpu.memory_space<hbm>>
    tpu.enqueue_indirect_dma source(%dma_start3A_263 : memref<100000x128xf32, #tpu.memory_space<hbm>>) target(%arg9 : memref<64x128xf32, #tpu.memory_space<vmem>>) offsets(%dma_start3A_260 : memref<64xi32, #tpu.memory_space<vmem>>) semaphore(%arg16 : memref<!tpu.dma_semaphore, #tpu.memory_space<semaphore_mem>>)
    %dma_wait3A_264 = arith.constant 12288 : i32
    %dma_wait3A_265 = tpu.memref_slice %arg2[%dma_wait3A_264] : memref<16384xi32, #tpu.memory_space<hbm>> -> memref<2048xi32, #tpu.memory_space<hbm>>
    %dma_wait3A_266 = arith.constant 12288 : i32
    %dma_wait3A_267 = tpu.memref_slice %arg2[%dma_wait3A_266] : memref<16384xi32, #tpu.memory_space<hbm>> -> memref<2048xi32, #tpu.memory_space<hbm>>
    tpu.wait_dma2 semaphore(%arg18 : memref<!tpu.dma_semaphore, #tpu.memory_space<semaphore_mem>>) src(%dma_wait3A_267 : memref<2048xi32, #tpu.memory_space<hbm>>) dst(%arg11 : memref<2048xi32, #tpu.memory_space<vmem>>)
    %dma_start3A_268 = arith.constant 14336 : i32
    %dma_start3A_269 = tpu.memref_slice %arg2[%dma_start3A_268] : memref<16384xi32, #tpu.memory_space<hbm>> -> memref<2048xi32, #tpu.memory_space<hbm>>
    %dma_start3A_270 = arith.constant 14336 : i32
    %dma_start3A_271 = tpu.memref_slice %arg2[%dma_start3A_270] : memref<16384xi32, #tpu.memory_space<hbm>> -> memref<2048xi32, #tpu.memory_space<hbm>>
    tpu.enqueue_dma source(%dma_start3A_271 : memref<2048xi32, #tpu.memory_space<hbm>>) target(%arg12 : memref<2048xi32, #tpu.memory_space<vmem>>) target_semaphore(%arg18 : memref<!tpu.dma_semaphore, #tpu.memory_space<semaphore_mem>>)
    %dma_wait3A_272 = arith.constant 8192 : i32
    %dma_wait3A_273 = tpu.memref_slice %arg5[%add3A_26, %dma_wait3A_272] : memref<64x16384xf32, #tpu.memory_space<hbm>> -> memref<1x2048xf32, #tpu.memory_space<hbm>>
    %dma_wait3A_274 = arith.constant 8192 : i32
    %dma_wait3A_275 = tpu.memref_slice %arg5[%add3A_26, %dma_wait3A_274] : memref<64x16384xf32, #tpu.memory_space<hbm>> -> memref<1x2048xf32, #tpu.memory_space<hbm>>
    tpu.wait_dma2 semaphore(%arg19 : memref<!tpu.dma_semaphore, #tpu.memory_space<semaphore_mem>>) src(%arg13 : memref<1x2048xf32, #tpu.memory_space<vmem>>) dst(%dma_wait3A_275 : memref<1x2048xf32, #tpu.memory_space<hbm>>)
    %dma_wait3A_276 = arith.constant 384 : i32
    %dma_wait3A_277 = tpu.memref_slice %arg7[%dma_wait3A_276] : memref<512xi32, #tpu.memory_space<vmem>> -> memref<64xi32, #tpu.memory_space<vmem>>
    %dma_wait3A_278 = arith.constant 0 : i32
    %dma_wait3A_279 = arith.constant 0 : i32
    %dma_wait3A_280 = tpu.memref_slice %arg4[%dma_wait3A_278, %dma_wait3A_279] : memref<100000x128xf32, #tpu.memory_space<hbm>> -> memref<100000x128xf32, #tpu.memory_space<hbm>>
    tpu.wait_indirect_dma semaphore(%arg15 : memref<!tpu.dma_semaphore, #tpu.memory_space<semaphore_mem>>) src(%dma_wait3A_280 : memref<100000x128xf32, #tpu.memory_space<hbm>>) dst(%arg8 : memref<64x128xf32, #tpu.memory_space<vmem>>)
    %add3A_281 = arith.constant 384 : i32
    %add3A_282 = arith.addi %mul3A_2, %add3A_281 : i32
    %dma_start3A_283 = arith.constant 0 : i32
    %dma_start3A_284 = tpu.memref_slice %arg6[%add3A_282, %dma_start3A_283] : memref<16384x128xf32, #tpu.memory_space<hbm>> -> memref<64x128xf32, #tpu.memory_space<hbm>>
    %dma_start3A_285 = arith.constant 0 : i32
    %dma_start3A_286 = tpu.memref_slice %arg6[%add3A_282, %dma_start3A_285] : memref<16384x128xf32, #tpu.memory_space<hbm>> -> memref<64x128xf32, #tpu.memory_space<hbm>>
    tpu.enqueue_dma source(%arg8 : memref<64x128xf32, #tpu.memory_space<vmem>>) target(%dma_start3A_286 : memref<64x128xf32, #tpu.memory_space<hbm>>) target_semaphore(%arg20 : memref<!tpu.dma_semaphore, #tpu.memory_space<semaphore_mem>>)
    %parallel_loop3A_287 = arith.constant 0 : i32
    %parallel_loop3A_288 = arith.constant 128 : i32
    %parallel_loop3A_289 = arith.constant 1 : i32
    %parallel_loop3A_290 = arith.constant 0 : i32
    %parallel_loop3A_291 = arith.constant 0 : i32
    scf.for %parallel_loop3A_522 = %parallel_loop3A_287 to %parallel_loop3A_288 step %parallel_loop3A_289  : i32 {
      %parallel_loop3A_523 = arith.constant 16 : i32
      %parallel_loop3A_524 = arith.muli %parallel_loop3A_522, %parallel_loop3A_523 : i32
      %parallel_loop3A_525 = arith.index_cast %parallel_loop3A_524 : i32 to index
      %parallel_loop3A_526 = tpu.vector_load %arg11[%parallel_loop3A_525] {strides = array<i32>} : memref<2048xi32, #tpu.memory_space<vmem>>, vector<16xi32>,
      %parallel_loop3A_527 = arith.constant 0 : i32
      %parallel_loop3A_528 = tpu.memref_slice %arg10[%parallel_loop3A_290, %parallel_loop3A_527] : memref<1x100000xf32, #tpu.memory_space<vmem>> -> memref<1x100000xf32, #tpu.memory_space<vmem>>
      %parallel_loop3A_529 = tpu.memref_squeeze %parallel_loop3A_528 : memref<1x100000xf32, #tpu.memory_space<vmem>> -> memref<100000xf32, #tpu.memory_space<vmem>>
      %parallel_loop3A_530 = tpu.vector_load_idx %parallel_loop3A_529[%parallel_loop3A_526] : memref<100000xf32, #tpu.memory_space<vmem>>[vector<16xi32>], vector<16xf32>,
      %parallel_loop3A_531 = arith.constant 16 : i32
      %parallel_loop3A_532 = arith.muli %parallel_loop3A_522, %parallel_loop3A_531 : i32
      %parallel_loop3A_533 = arith.constant 0 : i32
      %parallel_loop3A_534 = tpu.memref_slice %arg13[%parallel_loop3A_291, %parallel_loop3A_533] : memref<1x2048xf32, #tpu.memory_space<vmem>> -> memref<1x2048xf32, #tpu.memory_space<vmem>>
      %parallel_loop3A_535 = tpu.memref_squeeze %parallel_loop3A_534 : memref<1x2048xf32, #tpu.memory_space<vmem>> -> memref<2048xf32, #tpu.memory_space<vmem>>
      %parallel_loop3A_536 = arith.index_cast %parallel_loop3A_532 : i32 to index
      %parallel_loop3A_537 = tpu.vector_load %parallel_loop3A_535[%parallel_loop3A_536] {strides = array<i32>} : memref<2048xf32, #tpu.memory_space<vmem>>, vector<16xf32>,
      tpu.vector_store %parallel_loop3A_535[%parallel_loop3A_536], %parallel_loop3A_530 {strides = array<i32>} : memref<2048xf32, #tpu.memory_space<vmem>>, vector<16xf32>,
    } {sc.loop_unroll_factor = 8 : i64, sc.parallel_access}
    %dma_start3A_292 = arith.constant 12288 : i32
    %dma_start3A_293 = tpu.memref_slice %arg5[%add3A_26, %dma_start3A_292] : memref<64x16384xf32, #tpu.memory_space<hbm>> -> memref<1x2048xf32, #tpu.memory_space<hbm>>
    %dma_start3A_294 = arith.constant 12288 : i32
    %dma_start3A_295 = tpu.memref_slice %arg5[%add3A_26, %dma_start3A_294] : memref<64x16384xf32, #tpu.memory_space<hbm>> -> memref<1x2048xf32, #tpu.memory_space<hbm>>
    tpu.enqueue_dma source(%arg13 : memref<1x2048xf32, #tpu.memory_space<vmem>>) target(%dma_start3A_295 : memref<1x2048xf32, #tpu.memory_space<hbm>>) target_semaphore(%arg19 : memref<!tpu.dma_semaphore, #tpu.memory_space<semaphore_mem>>)
    %dma_wait3A_296 = arith.constant 14336 : i32
    %dma_wait3A_297 = tpu.memref_slice %arg2[%dma_wait3A_296] : memref<16384xi32, #tpu.memory_space<hbm>> -> memref<2048xi32, #tpu.memory_space<hbm>>
    %dma_wait3A_298 = arith.constant 14336 : i32
    %dma_wait3A_299 = tpu.memref_slice %arg2[%dma_wait3A_298] : memref<16384xi32, #tpu.memory_space<hbm>> -> memref<2048xi32, #tpu.memory_space<hbm>>
    tpu.wait_dma2 semaphore(%arg18 : memref<!tpu.dma_semaphore, #tpu.memory_space<semaphore_mem>>) src(%dma_wait3A_299 : memref<2048xi32, #tpu.memory_space<hbm>>) dst(%arg12 : memref<2048xi32, #tpu.memory_space<vmem>>)
    %dma_start3A_300 = arith.constant 0 : i32
    %dma_start3A_301 = tpu.memref_slice %arg2[%dma_start3A_300] : memref<16384xi32, #tpu.memory_space<hbm>> -> memref<2048xi32, #tpu.memory_space<hbm>>
    %dma_start3A_302 = arith.constant 0 : i32
    %dma_start3A_303 = tpu.memref_slice %arg2[%dma_start3A_302] : memref<16384xi32, #tpu.memory_space<hbm>> -> memref<2048xi32, #tpu.memory_space<hbm>>
    tpu.enqueue_dma source(%dma_start3A_303 : memref<2048xi32, #tpu.memory_space<hbm>>) target(%arg11 : memref<2048xi32, #tpu.memory_space<vmem>>) target_semaphore(%arg18 : memref<!tpu.dma_semaphore, #tpu.memory_space<semaphore_mem>>)
    %dma_wait3A_304 = arith.constant 10240 : i32
    %dma_wait3A_305 = tpu.memref_slice %arg5[%add3A_26, %dma_wait3A_304] : memref<64x16384xf32, #tpu.memory_space<hbm>> -> memref<1x2048xf32, #tpu.memory_space<hbm>>
    %dma_wait3A_306 = arith.constant 10240 : i32
    %dma_wait3A_307 = tpu.memref_slice %arg5[%add3A_26, %dma_wait3A_306] : memref<64x16384xf32, #tpu.memory_space<hbm>> -> memref<1x2048xf32, #tpu.memory_space<hbm>>
    tpu.wait_dma2 semaphore(%arg19 : memref<!tpu.dma_semaphore, #tpu.memory_space<semaphore_mem>>) src(%arg14 : memref<1x2048xf32, #tpu.memory_space<vmem>>) dst(%dma_wait3A_307 : memref<1x2048xf32, #tpu.memory_space<hbm>>)
    %dma_wait3A_308 = arith.constant 448 : i32
    %dma_wait3A_309 = tpu.memref_slice %arg7[%dma_wait3A_308] : memref<512xi32, #tpu.memory_space<vmem>> -> memref<64xi32, #tpu.memory_space<vmem>>
    %dma_wait3A_310 = arith.constant 0 : i32
    %dma_wait3A_311 = arith.constant 0 : i32
    %dma_wait3A_312 = tpu.memref_slice %arg4[%dma_wait3A_310, %dma_wait3A_311] : memref<100000x128xf32, #tpu.memory_space<hbm>> -> memref<100000x128xf32, #tpu.memory_space<hbm>>
    tpu.wait_indirect_dma semaphore(%arg16 : memref<!tpu.dma_semaphore, #tpu.memory_space<semaphore_mem>>) src(%dma_wait3A_312 : memref<100000x128xf32, #tpu.memory_space<hbm>>) dst(%arg9 : memref<64x128xf32, #tpu.memory_space<vmem>>)
    %add3A_313 = arith.constant 448 : i32
    %add3A_314 = arith.addi %mul3A_2, %add3A_313 : i32
    %dma_start3A_315 = arith.constant 0 : i32
    %dma_start3A_316 = tpu.memref_slice %arg6[%add3A_314, %dma_start3A_315] : memref<16384x128xf32, #tpu.memory_space<hbm>> -> memref<64x128xf32, #tpu.memory_space<hbm>>
    %dma_start3A_317 = arith.constant 0 : i32
    %dma_start3A_318 = tpu.memref_slice %arg6[%add3A_314, %dma_start3A_317] : memref<16384x128xf32, #tpu.memory_space<hbm>> -> memref<64x128xf32, #tpu.memory_space<hbm>>
    tpu.enqueue_dma source(%arg9 : memref<64x128xf32, #tpu.memory_space<vmem>>) target(%dma_start3A_318 : memref<64x128xf32, #tpu.memory_space<hbm>>) target_semaphore(%arg20 : memref<!tpu.dma_semaphore, #tpu.memory_space<semaphore_mem>>)
    %parallel_loop3A_319 = arith.constant 0 : i32
    %parallel_loop3A_320 = arith.constant 128 : i32
    %parallel_loop3A_321 = arith.constant 1 : i32
    %parallel_loop3A_322 = arith.constant 0 : i32
    %parallel_loop3A_323 = arith.constant 0 : i32
    scf.for %parallel_loop3A_522 = %parallel_loop3A_319 to %parallel_loop3A_320 step %parallel_loop3A_321  : i32 {
      %parallel_loop3A_523 = arith.constant 16 : i32
      %parallel_loop3A_524 = arith.muli %parallel_loop3A_522, %parallel_loop3A_523 : i32
      %parallel_loop3A_525 = arith.index_cast %parallel_loop3A_524 : i32 to index
      %parallel_loop3A_526 = tpu.vector_load %arg12[%parallel_loop3A_525] {strides = array<i32>} : memref<2048xi32, #tpu.memory_space<vmem>>, vector<16xi32>,
      %parallel_loop3A_527 = arith.constant 0 : i32
      %parallel_loop3A_528 = tpu.memref_slice %arg10[%parallel_loop3A_322, %parallel_loop3A_527] : memref<1x100000xf32, #tpu.memory_space<vmem>> -> memref<1x100000xf32, #tpu.memory_space<vmem>>
      %parallel_loop3A_529 = tpu.memref_squeeze %parallel_loop3A_528 : memref<1x100000xf32, #tpu.memory_space<vmem>> -> memref<100000xf32, #tpu.memory_space<vmem>>
      %parallel_loop3A_530 = tpu.vector_load_idx %parallel_loop3A_529[%parallel_loop3A_526] : memref<100000xf32, #tpu.memory_space<vmem>>[vector<16xi32>], vector<16xf32>,
      %parallel_loop3A_531 = arith.constant 16 : i32
      %parallel_loop3A_532 = arith.muli %parallel_loop3A_522, %parallel_loop3A_531 : i32
      %parallel_loop3A_533 = arith.constant 0 : i32
      %parallel_loop3A_534 = tpu.memref_slice %arg14[%parallel_loop3A_323, %parallel_loop3A_533] : memref<1x2048xf32, #tpu.memory_space<vmem>> -> memref<1x2048xf32, #tpu.memory_space<vmem>>
      %parallel_loop3A_535 = tpu.memref_squeeze %parallel_loop3A_534 : memref<1x2048xf32, #tpu.memory_space<vmem>> -> memref<2048xf32, #tpu.memory_space<vmem>>
      %parallel_loop3A_536 = arith.index_cast %parallel_loop3A_532 : i32 to index
      %parallel_loop3A_537 = tpu.vector_load %parallel_loop3A_535[%parallel_loop3A_536] {strides = array<i32>} : memref<2048xf32, #tpu.memory_space<vmem>>, vector<16xf32>,
      tpu.vector_store %parallel_loop3A_535[%parallel_loop3A_536], %parallel_loop3A_530 {strides = array<i32>} : memref<2048xf32, #tpu.memory_space<vmem>>, vector<16xf32>,
    } {sc.loop_unroll_factor = 8 : i64, sc.parallel_access}
    %dma_start3A_324 = arith.constant 14336 : i32
    %dma_start3A_325 = tpu.memref_slice %arg5[%add3A_26, %dma_start3A_324] : memref<64x16384xf32, #tpu.memory_space<hbm>> -> memref<1x2048xf32, #tpu.memory_space<hbm>>
    %dma_start3A_326 = arith.constant 14336 : i32
    %dma_start3A_327 = tpu.memref_slice %arg5[%add3A_26, %dma_start3A_326] : memref<64x16384xf32, #tpu.memory_space<hbm>> -> memref<1x2048xf32, #tpu.memory_space<hbm>>
    tpu.enqueue_dma source(%arg14 : memref<1x2048xf32, #tpu.memory_space<vmem>>) target(%dma_start3A_327 : memref<1x2048xf32, #tpu.memory_space<hbm>>) target_semaphore(%arg19 : memref<!tpu.dma_semaphore, #tpu.memory_space<semaphore_mem>>)
    %add3A_328 = arith.constant 0 : i32
    %add3A_329 = arith.addi %mul3A_4, %add3A_328 : i32
    %add3A_330 = arith.constant 1 : i32
    %add3A_331 = arith.addi %add3A_329, %add3A_330 : i32
    %dma_start3A_332 = arith.constant 0 : i32
    %dma_start3A_333 = tpu.memref_slice %arg3[%add3A_331, %dma_start3A_332] : memref<64x100000xf32, #tpu.memory_space<hbm>> -> memref<1x100000xf32, #tpu.memory_space<hbm>>
    %dma_start3A_334 = arith.constant 0 : i32
    %dma_start3A_335 = tpu.memref_slice %arg3[%add3A_331, %dma_start3A_334] : memref<64x100000xf32, #tpu.memory_space<hbm>> -> memref<1x100000xf32, #tpu.memory_space<hbm>>
    tpu.enqueue_dma source(%dma_start3A_335 : memref<1x100000xf32, #tpu.memory_space<hbm>>) target(%arg10 : memref<1x100000xf32, #tpu.memory_space<vmem>>) target_semaphore(%arg17 : memref<!tpu.dma_semaphore, #tpu.memory_space<semaphore_mem>>)
    %add3A_336 = arith.constant 1 : i32
    %add3A_337 = arith.addi %mul3A_4, %add3A_336 : i32
    %dma_wait3A_338 = arith.constant 0 : i32
    %dma_wait3A_339 = tpu.memref_slice %arg3[%add3A_331, %dma_wait3A_338] : memref<64x100000xf32, #tpu.memory_space<hbm>> -> memref<1x100000xf32, #tpu.memory_space<hbm>>
    %dma_wait3A_340 = arith.constant 0 : i32
    %dma_wait3A_341 = tpu.memref_slice %arg3[%add3A_331, %dma_wait3A_340] : memref<64x100000xf32, #tpu.memory_space<hbm>> -> memref<1x100000xf32, #tpu.memory_space<hbm>>
    tpu.wait_dma2 semaphore(%arg17 : memref<!tpu.dma_semaphore, #tpu.memory_space<semaphore_mem>>) src(%dma_wait3A_341 : memref<1x100000xf32, #tpu.memory_space<hbm>>) dst(%arg10 : memref<1x100000xf32, #tpu.memory_space<vmem>>)
    %dma_wait3A_342 = arith.constant 0 : i32
    %dma_wait3A_343 = tpu.memref_slice %arg2[%dma_wait3A_342] : memref<16384xi32, #tpu.memory_space<hbm>> -> memref<2048xi32, #tpu.memory_space<hbm>>
    %dma_wait3A_344 = arith.constant 0 : i32
    %dma_wait3A_345 = tpu.memref_slice %arg2[%dma_wait3A_344] : memref<16384xi32, #tpu.memory_space<hbm>> -> memref<2048xi32, #tpu.memory_space<hbm>>
    tpu.wait_dma2 semaphore(%arg18 : memref<!tpu.dma_semaphore, #tpu.memory_space<semaphore_mem>>) src(%dma_wait3A_345 : memref<2048xi32, #tpu.memory_space<hbm>>) dst(%arg11 : memref<2048xi32, #tpu.memory_space<vmem>>)
    %dma_start3A_346 = arith.constant 2048 : i32
    %dma_start3A_347 = tpu.memref_slice %arg2[%dma_start3A_346] : memref<16384xi32, #tpu.memory_space<hbm>> -> memref<2048xi32, #tpu.memory_space<hbm>>
    %dma_start3A_348 = arith.constant 2048 : i32
    %dma_start3A_349 = tpu.memref_slice %arg2[%dma_start3A_348] : memref<16384xi32, #tpu.memory_space<hbm>> -> memref<2048xi32, #tpu.memory_space<hbm>>
    tpu.enqueue_dma source(%dma_start3A_349 : memref<2048xi32, #tpu.memory_space<hbm>>) target(%arg12 : memref<2048xi32, #tpu.memory_space<vmem>>) target_semaphore(%arg18 : memref<!tpu.dma_semaphore, #tpu.memory_space<semaphore_mem>>)
    %dma_wait3A_350 = arith.constant 12288 : i32
    %dma_wait3A_351 = tpu.memref_slice %arg5[%add3A_26, %dma_wait3A_350] : memref<64x16384xf32, #tpu.memory_space<hbm>> -> memref<1x2048xf32, #tpu.memory_space<hbm>>
    %dma_wait3A_352 = arith.constant 12288 : i32
    %dma_wait3A_353 = tpu.memref_slice %arg5[%add3A_26, %dma_wait3A_352] : memref<64x16384xf32, #tpu.memory_space<hbm>> -> memref<1x2048xf32, #tpu.memory_space<hbm>>
    tpu.wait_dma2 semaphore(%arg19 : memref<!tpu.dma_semaphore, #tpu.memory_space<semaphore_mem>>) src(%arg13 : memref<1x2048xf32, #tpu.memory_space<vmem>>) dst(%dma_wait3A_353 : memref<1x2048xf32, #tpu.memory_space<hbm>>)
    %parallel_loop3A_354 = arith.constant 0 : i32
    %parallel_loop3A_355 = arith.constant 128 : i32
    %parallel_loop3A_356 = arith.constant 1 : i32
    %parallel_loop3A_357 = arith.constant 0 : i32
    %parallel_loop3A_358 = arith.constant 0 : i32
    scf.for %parallel_loop3A_522 = %parallel_loop3A_354 to %parallel_loop3A_355 step %parallel_loop3A_356  : i32 {
      %parallel_loop3A_523 = arith.constant 16 : i32
      %parallel_loop3A_524 = arith.muli %parallel_loop3A_522, %parallel_loop3A_523 : i32
      %parallel_loop3A_525 = arith.index_cast %parallel_loop3A_524 : i32 to index
      %parallel_loop3A_526 = tpu.vector_load %arg11[%parallel_loop3A_525] {strides = array<i32>} : memref<2048xi32, #tpu.memory_space<vmem>>, vector<16xi32>,
      %parallel_loop3A_527 = arith.constant 0 : i32
      %parallel_loop3A_528 = tpu.memref_slice %arg10[%parallel_loop3A_357, %parallel_loop3A_527] : memref<1x100000xf32, #tpu.memory_space<vmem>> -> memref<1x100000xf32, #tpu.memory_space<vmem>>
      %parallel_loop3A_529 = tpu.memref_squeeze %parallel_loop3A_528 : memref<1x100000xf32, #tpu.memory_space<vmem>> -> memref<100000xf32, #tpu.memory_space<vmem>>
      %parallel_loop3A_530 = tpu.vector_load_idx %parallel_loop3A_529[%parallel_loop3A_526] : memref<100000xf32, #tpu.memory_space<vmem>>[vector<16xi32>], vector<16xf32>,
      %parallel_loop3A_531 = arith.constant 16 : i32
      %parallel_loop3A_532 = arith.muli %parallel_loop3A_522, %parallel_loop3A_531 : i32
      %parallel_loop3A_533 = arith.constant 0 : i32
      %parallel_loop3A_534 = tpu.memref_slice %arg13[%parallel_loop3A_358, %parallel_loop3A_533] : memref<1x2048xf32, #tpu.memory_space<vmem>> -> memref<1x2048xf32, #tpu.memory_space<vmem>>
      %parallel_loop3A_535 = tpu.memref_squeeze %parallel_loop3A_534 : memref<1x2048xf32, #tpu.memory_space<vmem>> -> memref<2048xf32, #tpu.memory_space<vmem>>
      %parallel_loop3A_536 = arith.index_cast %parallel_loop3A_532 : i32 to index
      %parallel_loop3A_537 = tpu.vector_load %parallel_loop3A_535[%parallel_loop3A_536] {strides = array<i32>} : memref<2048xf32, #tpu.memory_space<vmem>>, vector<16xf32>,
      tpu.vector_store %parallel_loop3A_535[%parallel_loop3A_536], %parallel_loop3A_530 {strides = array<i32>} : memref<2048xf32, #tpu.memory_space<vmem>>, vector<16xf32>,
    } {sc.loop_unroll_factor = 8 : i64, sc.parallel_access}
    %dma_start3A_359 = arith.constant 0 : i32
    %dma_start3A_360 = tpu.memref_slice %arg5[%add3A_337, %dma_start3A_359] : memref<64x16384xf32, #tpu.memory_space<hbm>> -> memref<1x2048xf32, #tpu.memory_space<hbm>>
    %dma_start3A_361 = arith.constant 0 : i32
    %dma_start3A_362 = tpu.memref_slice %arg5[%add3A_337, %dma_start3A_361] : memref<64x16384xf32, #tpu.memory_space<hbm>> -> memref<1x2048xf32, #tpu.memory_space<hbm>>
    tpu.enqueue_dma source(%arg13 : memref<1x2048xf32, #tpu.memory_space<vmem>>) target(%dma_start3A_362 : memref<1x2048xf32, #tpu.memory_space<hbm>>) target_semaphore(%arg19 : memref<!tpu.dma_semaphore, #tpu.memory_space<semaphore_mem>>)
    %dma_wait3A_363 = arith.constant 2048 : i32
    %dma_wait3A_364 = tpu.memref_slice %arg2[%dma_wait3A_363] : memref<16384xi32, #tpu.memory_space<hbm>> -> memref<2048xi32, #tpu.memory_space<hbm>>
    %dma_wait3A_365 = arith.constant 2048 : i32
    %dma_wait3A_366 = tpu.memref_slice %arg2[%dma_wait3A_365] : memref<16384xi32, #tpu.memory_space<hbm>> -> memref<2048xi32, #tpu.memory_space<hbm>>
    tpu.wait_dma2 semaphore(%arg18 : memref<!tpu.dma_semaphore, #tpu.memory_space<semaphore_mem>>) src(%dma_wait3A_366 : memref<2048xi32, #tpu.memory_space<hbm>>) dst(%arg12 : memref<2048xi32, #tpu.memory_space<vmem>>)
    %dma_start3A_367 = arith.constant 4096 : i32
    %dma_start3A_368 = tpu.memref_slice %arg2[%dma_start3A_367] : memref<16384xi32, #tpu.memory_space<hbm>> -> memref<2048xi32, #tpu.memory_space<hbm>>
    %dma_start3A_369 = arith.constant 4096 : i32
    %dma_start3A_370 = tpu.memref_slice %arg2[%dma_start3A_369] : memref<16384xi32, #tpu.memory_space<hbm>> -> memref<2048xi32, #tpu.memory_space<hbm>>
    tpu.enqueue_dma source(%dma_start3A_370 : memref<2048xi32, #tpu.memory_space<hbm>>) target(%arg11 : memref<2048xi32, #tpu.memory_space<vmem>>) target_semaphore(%arg18 : memref<!tpu.dma_semaphore, #tpu.memory_space<semaphore_mem>>)
    %dma_wait3A_371 = arith.constant 14336 : i32
    %dma_wait3A_372 = tpu.memref_slice %arg5[%add3A_26, %dma_wait3A_371] : memref<64x16384xf32, #tpu.memory_space<hbm>> -> memref<1x2048xf32, #tpu.memory_space<hbm>>
    %dma_wait3A_373 = arith.constant 14336 : i32
    %dma_wait3A_374 = tpu.memref_slice %arg5[%add3A_26, %dma_wait3A_373] : memref<64x16384xf32, #tpu.memory_space<hbm>> -> memref<1x2048xf32, #tpu.memory_space<hbm>>
    tpu.wait_dma2 semaphore(%arg19 : memref<!tpu.dma_semaphore, #tpu.memory_space<semaphore_mem>>) src(%arg14 : memref<1x2048xf32, #tpu.memory_space<vmem>>) dst(%dma_wait3A_374 : memref<1x2048xf32, #tpu.memory_space<hbm>>)
    %parallel_loop3A_375 = arith.constant 0 : i32
    %parallel_loop3A_376 = arith.constant 128 : i32
    %parallel_loop3A_377 = arith.constant 1 : i32
    %parallel_loop3A_378 = arith.constant 0 : i32
    %parallel_loop3A_379 = arith.constant 0 : i32
    scf.for %parallel_loop3A_522 = %parallel_loop3A_375 to %parallel_loop3A_376 step %parallel_loop3A_377  : i32 {
      %parallel_loop3A_523 = arith.constant 16 : i32
      %parallel_loop3A_524 = arith.muli %parallel_loop3A_522, %parallel_loop3A_523 : i32
      %parallel_loop3A_525 = arith.index_cast %parallel_loop3A_524 : i32 to index
      %parallel_loop3A_526 = tpu.vector_load %arg12[%parallel_loop3A_525] {strides = array<i32>} : memref<2048xi32, #tpu.memory_space<vmem>>, vector<16xi32>,
      %parallel_loop3A_527 = arith.constant 0 : i32
      %parallel_loop3A_528 = tpu.memref_slice %arg10[%parallel_loop3A_378, %parallel_loop3A_527] : memref<1x100000xf32, #tpu.memory_space<vmem>> -> memref<1x100000xf32, #tpu.memory_space<vmem>>
      %parallel_loop3A_529 = tpu.memref_squeeze %parallel_loop3A_528 : memref<1x100000xf32, #tpu.memory_space<vmem>> -> memref<100000xf32, #tpu.memory_space<vmem>>
      %parallel_loop3A_530 = tpu.vector_load_idx %parallel_loop3A_529[%parallel_loop3A_526] : memref<100000xf32, #tpu.memory_space<vmem>>[vector<16xi32>], vector<16xf32>,
      %parallel_loop3A_531 = arith.constant 16 : i32
      %parallel_loop3A_532 = arith.muli %parallel_loop3A_522, %parallel_loop3A_531 : i32
      %parallel_loop3A_533 = arith.constant 0 : i32
      %parallel_loop3A_534 = tpu.memref_slice %arg14[%parallel_loop3A_379, %parallel_loop3A_533] : memref<1x2048xf32, #tpu.memory_space<vmem>> -> memref<1x2048xf32, #tpu.memory_space<vmem>>
      %parallel_loop3A_535 = tpu.memref_squeeze %parallel_loop3A_534 : memref<1x2048xf32, #tpu.memory_space<vmem>> -> memref<2048xf32, #tpu.memory_space<vmem>>
      %parallel_loop3A_536 = arith.index_cast %parallel_loop3A_532 : i32 to index
      %parallel_loop3A_537 = tpu.vector_load %parallel_loop3A_535[%parallel_loop3A_536] {strides = array<i32>} : memref<2048xf32, #tpu.memory_space<vmem>>, vector<16xf32>,
      tpu.vector_store %parallel_loop3A_535[%parallel_loop3A_536], %parallel_loop3A_530 {strides = array<i32>} : memref<2048xf32, #tpu.memory_space<vmem>>, vector<16xf32>,
    } {sc.loop_unroll_factor = 8 : i64, sc.parallel_access}
    %dma_start3A_380 = arith.constant 2048 : i32
    %dma_start3A_381 = tpu.memref_slice %arg5[%add3A_337, %dma_start3A_380] : memref<64x16384xf32, #tpu.memory_space<hbm>> -> memref<1x2048xf32, #tpu.memory_space<hbm>>
    %dma_start3A_382 = arith.constant 2048 : i32
    %dma_start3A_383 = tpu.memref_slice %arg5[%add3A_337, %dma_start3A_382] : memref<64x16384xf32, #tpu.memory_space<hbm>> -> memref<1x2048xf32, #tpu.memory_space<hbm>>
    tpu.enqueue_dma source(%arg14 : memref<1x2048xf32, #tpu.memory_space<vmem>>) target(%dma_start3A_383 : memref<1x2048xf32, #tpu.memory_space<hbm>>) target_semaphore(%arg19 : memref<!tpu.dma_semaphore, #tpu.memory_space<semaphore_mem>>)
    %dma_wait3A_384 = arith.constant 4096 : i32
    %dma_wait3A_385 = tpu.memref_slice %arg2[%dma_wait3A_384] : memref<16384xi32, #tpu.memory_space<hbm>> -> memref<2048xi32, #tpu.memory_space<hbm>>
    %dma_wait3A_386 = arith.constant 4096 : i32
    %dma_wait3A_387 = tpu.memref_slice %arg2[%dma_wait3A_386] : memref<16384xi32, #tpu.memory_space<hbm>> -> memref<2048xi32, #tpu.memory_space<hbm>>
    tpu.wait_dma2 semaphore(%arg18 : memref<!tpu.dma_semaphore, #tpu.memory_space<semaphore_mem>>) src(%dma_wait3A_387 : memref<2048xi32, #tpu.memory_space<hbm>>) dst(%arg11 : memref<2048xi32, #tpu.memory_space<vmem>>)
    %dma_start3A_388 = arith.constant 6144 : i32
    %dma_start3A_389 = tpu.memref_slice %arg2[%dma_start3A_388] : memref<16384xi32, #tpu.memory_space<hbm>> -> memref<2048xi32, #tpu.memory_space<hbm>>
    %dma_start3A_390 = arith.constant 6144 : i32
    %dma_start3A_391 = tpu.memref_slice %arg2[%dma_start3A_390] : memref<16384xi32, #tpu.memory_space<hbm>> -> memref<2048xi32, #tpu.memory_space<hbm>>
    tpu.enqueue_dma source(%dma_start3A_391 : memref<2048xi32, #tpu.memory_space<hbm>>) target(%arg12 : memref<2048xi32, #tpu.memory_space<vmem>>) target_semaphore(%arg18 : memref<!tpu.dma_semaphore, #tpu.memory_space<semaphore_mem>>)
    %dma_wait3A_392 = arith.constant 0 : i32
    %dma_wait3A_393 = tpu.memref_slice %arg5[%add3A_337, %dma_wait3A_392] : memref<64x16384xf32, #tpu.memory_space<hbm>> -> memref<1x2048xf32, #tpu.memory_space<hbm>>
    %dma_wait3A_394 = arith.constant 0 : i32
    %dma_wait3A_395 = tpu.memref_slice %arg5[%add3A_337, %dma_wait3A_394] : memref<64x16384xf32, #tpu.memory_space<hbm>> -> memref<1x2048xf32, #tpu.memory_space<hbm>>
    tpu.wait_dma2 semaphore(%arg19 : memref<!tpu.dma_semaphore, #tpu.memory_space<semaphore_mem>>) src(%arg13 : memref<1x2048xf32, #tpu.memory_space<vmem>>) dst(%dma_wait3A_395 : memref<1x2048xf32, #tpu.memory_space<hbm>>)
    %parallel_loop3A_396 = arith.constant 0 : i32
    %parallel_loop3A_397 = arith.constant 128 : i32
    %parallel_loop3A_398 = arith.constant 1 : i32
    %parallel_loop3A_399 = arith.constant 0 : i32
    %parallel_loop3A_400 = arith.constant 0 : i32
    scf.for %parallel_loop3A_522 = %parallel_loop3A_396 to %parallel_loop3A_397 step %parallel_loop3A_398  : i32 {
      %parallel_loop3A_523 = arith.constant 16 : i32
      %parallel_loop3A_524 = arith.muli %parallel_loop3A_522, %parallel_loop3A_523 : i32
      %parallel_loop3A_525 = arith.index_cast %parallel_loop3A_524 : i32 to index
      %parallel_loop3A_526 = tpu.vector_load %arg11[%parallel_loop3A_525] {strides = array<i32>} : memref<2048xi32, #tpu.memory_space<vmem>>, vector<16xi32>,
      %parallel_loop3A_527 = arith.constant 0 : i32
      %parallel_loop3A_528 = tpu.memref_slice %arg10[%parallel_loop3A_399, %parallel_loop3A_527] : memref<1x100000xf32, #tpu.memory_space<vmem>> -> memref<1x100000xf32, #tpu.memory_space<vmem>>
      %parallel_loop3A_529 = tpu.memref_squeeze %parallel_loop3A_528 : memref<1x100000xf32, #tpu.memory_space<vmem>> -> memref<100000xf32, #tpu.memory_space<vmem>>
      %parallel_loop3A_530 = tpu.vector_load_idx %parallel_loop3A_529[%parallel_loop3A_526] : memref<100000xf32, #tpu.memory_space<vmem>>[vector<16xi32>], vector<16xf32>,
      %parallel_loop3A_531 = arith.constant 16 : i32
      %parallel_loop3A_532 = arith.muli %parallel_loop3A_522, %parallel_loop3A_531 : i32
      %parallel_loop3A_533 = arith.constant 0 : i32
      %parallel_loop3A_534 = tpu.memref_slice %arg13[%parallel_loop3A_400, %parallel_loop3A_533] : memref<1x2048xf32, #tpu.memory_space<vmem>> -> memref<1x2048xf32, #tpu.memory_space<vmem>>
      %parallel_loop3A_535 = tpu.memref_squeeze %parallel_loop3A_534 : memref<1x2048xf32, #tpu.memory_space<vmem>> -> memref<2048xf32, #tpu.memory_space<vmem>>
      %parallel_loop3A_536 = arith.index_cast %parallel_loop3A_532 : i32 to index
      %parallel_loop3A_537 = tpu.vector_load %parallel_loop3A_535[%parallel_loop3A_536] {strides = array<i32>} : memref<2048xf32, #tpu.memory_space<vmem>>, vector<16xf32>,
      tpu.vector_store %parallel_loop3A_535[%parallel_loop3A_536], %parallel_loop3A_530 {strides = array<i32>} : memref<2048xf32, #tpu.memory_space<vmem>>, vector<16xf32>,
    } {sc.loop_unroll_factor = 8 : i64, sc.parallel_access}
    %dma_start3A_401 = arith.constant 4096 : i32
    %dma_start3A_402 = tpu.memref_slice %arg5[%add3A_337, %dma_start3A_401] : memref<64x16384xf32, #tpu.memory_space<hbm>> -> memref<1x2048xf32, #tpu.memory_space<hbm>>
    %dma_start3A_403 = arith.constant 4096 : i32
    %dma_start3A_404 = tpu.memref_slice %arg5[%add3A_337, %dma_start3A_403] : memref<64x16384xf32, #tpu.memory_space<hbm>> -> memref<1x2048xf32, #tpu.memory_space<hbm>>
    tpu.enqueue_dma source(%arg13 : memref<1x2048xf32, #tpu.memory_space<vmem>>) target(%dma_start3A_404 : memref<1x2048xf32, #tpu.memory_space<hbm>>) target_semaphore(%arg19 : memref<!tpu.dma_semaphore, #tpu.memory_space<semaphore_mem>>)
    %dma_wait3A_405 = arith.constant 6144 : i32
    %dma_wait3A_406 = tpu.memref_slice %arg2[%dma_wait3A_405] : memref<16384xi32, #tpu.memory_space<hbm>> -> memref<2048xi32, #tpu.memory_space<hbm>>
    %dma_wait3A_407 = arith.constant 6144 : i32
    %dma_wait3A_408 = tpu.memref_slice %arg2[%dma_wait3A_407] : memref<16384xi32, #tpu.memory_space<hbm>> -> memref<2048xi32, #tpu.memory_space<hbm>>
    tpu.wait_dma2 semaphore(%arg18 : memref<!tpu.dma_semaphore, #tpu.memory_space<semaphore_mem>>) src(%dma_wait3A_408 : memref<2048xi32, #tpu.memory_space<hbm>>) dst(%arg12 : memref<2048xi32, #tpu.memory_space<vmem>>)
    %dma_start3A_409 = arith.constant 8192 : i32
    %dma_start3A_410 = tpu.memref_slice %arg2[%dma_start3A_409] : memref<16384xi32, #tpu.memory_space<hbm>> -> memref<2048xi32, #tpu.memory_space<hbm>>
    %dma_start3A_411 = arith.constant 8192 : i32
    %dma_start3A_412 = tpu.memref_slice %arg2[%dma_start3A_411] : memref<16384xi32, #tpu.memory_space<hbm>> -> memref<2048xi32, #tpu.memory_space<hbm>>
    tpu.enqueue_dma source(%dma_start3A_412 : memref<2048xi32, #tpu.memory_space<hbm>>) target(%arg11 : memref<2048xi32, #tpu.memory_space<vmem>>) target_semaphore(%arg18 : memref<!tpu.dma_semaphore, #tpu.memory_space<semaphore_mem>>)
    %dma_wait3A_413 = arith.constant 2048 : i32
    %dma_wait3A_414 = tpu.memref_slice %arg5[%add3A_337, %dma_wait3A_413] : memref<64x16384xf32, #tpu.memory_space<hbm>> -> memref<1x2048xf32, #tpu.memory_space<hbm>>
    %dma_wait3A_415 = arith.constant 2048 : i32
    %dma_wait3A_416 = tpu.memref_slice %arg5[%add3A_337, %dma_wait3A_415] : memref<64x16384xf32, #tpu.memory_space<hbm>> -> memref<1x2048xf32, #tpu.memory_space<hbm>>
    tpu.wait_dma2 semaphore(%arg19 : memref<!tpu.dma_semaphore, #tpu.memory_space<semaphore_mem>>) src(%arg14 : memref<1x2048xf32, #tpu.memory_space<vmem>>) dst(%dma_wait3A_416 : memref<1x2048xf32, #tpu.memory_space<hbm>>)
    %parallel_loop3A_417 = arith.constant 0 : i32
    %parallel_loop3A_418 = arith.constant 128 : i32
    %parallel_loop3A_419 = arith.constant 1 : i32
    %parallel_loop3A_420 = arith.constant 0 : i32
    %parallel_loop3A_421 = arith.constant 0 : i32
    scf.for %parallel_loop3A_522 = %parallel_loop3A_417 to %parallel_loop3A_418 step %parallel_loop3A_419  : i32 {
      %parallel_loop3A_523 = arith.constant 16 : i32
      %parallel_loop3A_524 = arith.muli %parallel_loop3A_522, %parallel_loop3A_523 : i32
      %parallel_loop3A_525 = arith.index_cast %parallel_loop3A_524 : i32 to index
      %parallel_loop3A_526 = tpu.vector_load %arg12[%parallel_loop3A_525] {strides = array<i32>} : memref<2048xi32, #tpu.memory_space<vmem>>, vector<16xi32>,
      %parallel_loop3A_527 = arith.constant 0 : i32
      %parallel_loop3A_528 = tpu.memref_slice %arg10[%parallel_loop3A_420, %parallel_loop3A_527] : memref<1x100000xf32, #tpu.memory_space<vmem>> -> memref<1x100000xf32, #tpu.memory_space<vmem>>
      %parallel_loop3A_529 = tpu.memref_squeeze %parallel_loop3A_528 : memref<1x100000xf32, #tpu.memory_space<vmem>> -> memref<100000xf32, #tpu.memory_space<vmem>>
      %parallel_loop3A_530 = tpu.vector_load_idx %parallel_loop3A_529[%parallel_loop3A_526] : memref<100000xf32, #tpu.memory_space<vmem>>[vector<16xi32>], vector<16xf32>,
      %parallel_loop3A_531 = arith.constant 16 : i32
      %parallel_loop3A_532 = arith.muli %parallel_loop3A_522, %parallel_loop3A_531 : i32
      %parallel_loop3A_533 = arith.constant 0 : i32
      %parallel_loop3A_534 = tpu.memref_slice %arg14[%parallel_loop3A_421, %parallel_loop3A_533] : memref<1x2048xf32, #tpu.memory_space<vmem>> -> memref<1x2048xf32, #tpu.memory_space<vmem>>
      %parallel_loop3A_535 = tpu.memref_squeeze %parallel_loop3A_534 : memref<1x2048xf32, #tpu.memory_space<vmem>> -> memref<2048xf32, #tpu.memory_space<vmem>>
      %parallel_loop3A_536 = arith.index_cast %parallel_loop3A_532 : i32 to index
      %parallel_loop3A_537 = tpu.vector_load %parallel_loop3A_535[%parallel_loop3A_536] {strides = array<i32>} : memref<2048xf32, #tpu.memory_space<vmem>>, vector<16xf32>,
      tpu.vector_store %parallel_loop3A_535[%parallel_loop3A_536], %parallel_loop3A_530 {strides = array<i32>} : memref<2048xf32, #tpu.memory_space<vmem>>, vector<16xf32>,
    } {sc.loop_unroll_factor = 8 : i64, sc.parallel_access}
    %dma_start3A_422 = arith.constant 6144 : i32
    %dma_start3A_423 = tpu.memref_slice %arg5[%add3A_337, %dma_start3A_422] : memref<64x16384xf32, #tpu.memory_space<hbm>> -> memref<1x2048xf32, #tpu.memory_space<hbm>>
    %dma_start3A_424 = arith.constant 6144 : i32
    %dma_start3A_425 = tpu.memref_slice %arg5[%add3A_337, %dma_start3A_424] : memref<64x16384xf32, #tpu.memory_space<hbm>> -> memref<1x2048xf32, #tpu.memory_space<hbm>>
    tpu.enqueue_dma source(%arg14 : memref<1x2048xf32, #tpu.memory_space<vmem>>) target(%dma_start3A_425 : memref<1x2048xf32, #tpu.memory_space<hbm>>) target_semaphore(%arg19 : memref<!tpu.dma_semaphore, #tpu.memory_space<semaphore_mem>>)
    %dma_wait3A_426 = arith.constant 8192 : i32
    %dma_wait3A_427 = tpu.memref_slice %arg2[%dma_wait3A_426] : memref<16384xi32, #tpu.memory_space<hbm>> -> memref<2048xi32, #tpu.memory_space<hbm>>
    %dma_wait3A_428 = arith.constant 8192 : i32
    %dma_wait3A_429 = tpu.memref_slice %arg2[%dma_wait3A_428] : memref<16384xi32, #tpu.memory_space<hbm>> -> memref<2048xi32, #tpu.memory_space<hbm>>
    tpu.wait_dma2 semaphore(%arg18 : memref<!tpu.dma_semaphore, #tpu.memory_space<semaphore_mem>>) src(%dma_wait3A_429 : memref<2048xi32, #tpu.memory_space<hbm>>) dst(%arg11 : memref<2048xi32, #tpu.memory_space<vmem>>)
    %dma_start3A_430 = arith.constant 10240 : i32
    %dma_start3A_431 = tpu.memref_slice %arg2[%dma_start3A_430] : memref<16384xi32, #tpu.memory_space<hbm>> -> memref<2048xi32, #tpu.memory_space<hbm>>
    %dma_start3A_432 = arith.constant 10240 : i32
    %dma_start3A_433 = tpu.memref_slice %arg2[%dma_start3A_432] : memref<16384xi32, #tpu.memory_space<hbm>> -> memref<2048xi32, #tpu.memory_space<hbm>>
    tpu.enqueue_dma source(%dma_start3A_433 : memref<2048xi32, #tpu.memory_space<hbm>>) target(%arg12 : memref<2048xi32, #tpu.memory_space<vmem>>) target_semaphore(%arg18 : memref<!tpu.dma_semaphore, #tpu.memory_space<semaphore_mem>>)
    %dma_wait3A_434 = arith.constant 4096 : i32
    %dma_wait3A_435 = tpu.memref_slice %arg5[%add3A_337, %dma_wait3A_434] : memref<64x16384xf32, #tpu.memory_space<hbm>> -> memref<1x2048xf32, #tpu.memory_space<hbm>>
    %dma_wait3A_436 = arith.constant 4096 : i32
    %dma_wait3A_437 = tpu.memref_slice %arg5[%add3A_337, %dma_wait3A_436] : memref<64x16384xf32, #tpu.memory_space<hbm>> -> memref<1x2048xf32, #tpu.memory_space<hbm>>
    tpu.wait_dma2 semaphore(%arg19 : memref<!tpu.dma_semaphore, #tpu.memory_space<semaphore_mem>>) src(%arg13 : memref<1x2048xf32, #tpu.memory_space<vmem>>) dst(%dma_wait3A_437 : memref<1x2048xf32, #tpu.memory_space<hbm>>)
    %parallel_loop3A_438 = arith.constant 0 : i32
    %parallel_loop3A_439 = arith.constant 128 : i32
    %parallel_loop3A_440 = arith.constant 1 : i32
    %parallel_loop3A_441 = arith.constant 0 : i32
    %parallel_loop3A_442 = arith.constant 0 : i32
    scf.for %parallel_loop3A_522 = %parallel_loop3A_438 to %parallel_loop3A_439 step %parallel_loop3A_440  : i32 {
      %parallel_loop3A_523 = arith.constant 16 : i32
      %parallel_loop3A_524 = arith.muli %parallel_loop3A_522, %parallel_loop3A_523 : i32
      %parallel_loop3A_525 = arith.index_cast %parallel_loop3A_524 : i32 to index
      %parallel_loop3A_526 = tpu.vector_load %arg11[%parallel_loop3A_525] {strides = array<i32>} : memref<2048xi32, #tpu.memory_space<vmem>>, vector<16xi32>,
      %parallel_loop3A_527 = arith.constant 0 : i32
      %parallel_loop3A_528 = tpu.memref_slice %arg10[%parallel_loop3A_441, %parallel_loop3A_527] : memref<1x100000xf32, #tpu.memory_space<vmem>> -> memref<1x100000xf32, #tpu.memory_space<vmem>>
      %parallel_loop3A_529 = tpu.memref_squeeze %parallel_loop3A_528 : memref<1x100000xf32, #tpu.memory_space<vmem>> -> memref<100000xf32, #tpu.memory_space<vmem>>
      %parallel_loop3A_530 = tpu.vector_load_idx %parallel_loop3A_529[%parallel_loop3A_526] : memref<100000xf32, #tpu.memory_space<vmem>>[vector<16xi32>], vector<16xf32>,
      %parallel_loop3A_531 = arith.constant 16 : i32
      %parallel_loop3A_532 = arith.muli %parallel_loop3A_522, %parallel_loop3A_531 : i32
      %parallel_loop3A_533 = arith.constant 0 : i32
      %parallel_loop3A_534 = tpu.memref_slice %arg13[%parallel_loop3A_442, %parallel_loop3A_533] : memref<1x2048xf32, #tpu.memory_space<vmem>> -> memref<1x2048xf32, #tpu.memory_space<vmem>>
      %parallel_loop3A_535 = tpu.memref_squeeze %parallel_loop3A_534 : memref<1x2048xf32, #tpu.memory_space<vmem>> -> memref<2048xf32, #tpu.memory_space<vmem>>
      %parallel_loop3A_536 = arith.index_cast %parallel_loop3A_532 : i32 to index
      %parallel_loop3A_537 = tpu.vector_load %parallel_loop3A_535[%parallel_loop3A_536] {strides = array<i32>} : memref<2048xf32, #tpu.memory_space<vmem>>, vector<16xf32>,
      tpu.vector_store %parallel_loop3A_535[%parallel_loop3A_536], %parallel_loop3A_530 {strides = array<i32>} : memref<2048xf32, #tpu.memory_space<vmem>>, vector<16xf32>,
    } {sc.loop_unroll_factor = 8 : i64, sc.parallel_access}
    %dma_start3A_443 = arith.constant 8192 : i32
    %dma_start3A_444 = tpu.memref_slice %arg5[%add3A_337, %dma_start3A_443] : memref<64x16384xf32, #tpu.memory_space<hbm>> -> memref<1x2048xf32, #tpu.memory_space<hbm>>
    %dma_start3A_445 = arith.constant 8192 : i32
    %dma_start3A_446 = tpu.memref_slice %arg5[%add3A_337, %dma_start3A_445] : memref<64x16384xf32, #tpu.memory_space<hbm>> -> memref<1x2048xf32, #tpu.memory_space<hbm>>
    tpu.enqueue_dma source(%arg13 : memref<1x2048xf32, #tpu.memory_space<vmem>>) target(%dma_start3A_446 : memref<1x2048xf32, #tpu.memory_space<hbm>>) target_semaphore(%arg19 : memref<!tpu.dma_semaphore, #tpu.memory_space<semaphore_mem>>)
    %dma_wait3A_447 = arith.constant 10240 : i32
    %dma_wait3A_448 = tpu.memref_slice %arg2[%dma_wait3A_447] : memref<16384xi32, #tpu.memory_space<hbm>> -> memref<2048xi32, #tpu.memory_space<hbm>>
    %dma_wait3A_449 = arith.constant 10240 : i32
    %dma_wait3A_450 = tpu.memref_slice %arg2[%dma_wait3A_449] : memref<16384xi32, #tpu.memory_space<hbm>> -> memref<2048xi32, #tpu.memory_space<hbm>>
    tpu.wait_dma2 semaphore(%arg18 : memref<!tpu.dma_semaphore, #tpu.memory_space<semaphore_mem>>) src(%dma_wait3A_450 : memref<2048xi32, #tpu.memory_space<hbm>>) dst(%arg12 : memref<2048xi32, #tpu.memory_space<vmem>>)
    %dma_start3A_451 = arith.constant 12288 : i32
    %dma_start3A_452 = tpu.memref_slice %arg2[%dma_start3A_451] : memref<16384xi32, #tpu.memory_space<hbm>> -> memref<2048xi32, #tpu.memory_space<hbm>>
    %dma_start3A_453 = arith.constant 12288 : i32
    %dma_start3A_454 = tpu.memref_slice %arg2[%dma_start3A_453] : memref<16384xi32, #tpu.memory_space<hbm>> -> memref<2048xi32, #tpu.memory_space<hbm>>
    tpu.enqueue_dma source(%dma_start3A_454 : memref<2048xi32, #tpu.memory_space<hbm>>) target(%arg11 : memref<2048xi32, #tpu.memory_space<vmem>>) target_semaphore(%arg18 : memref<!tpu.dma_semaphore, #tpu.memory_space<semaphore_mem>>)
    %dma_wait3A_455 = arith.constant 6144 : i32
    %dma_wait3A_456 = tpu.memref_slice %arg5[%add3A_337, %dma_wait3A_455] : memref<64x16384xf32, #tpu.memory_space<hbm>> -> memref<1x2048xf32, #tpu.memory_space<hbm>>
    %dma_wait3A_457 = arith.constant 6144 : i32
    %dma_wait3A_458 = tpu.memref_slice %arg5[%add3A_337, %dma_wait3A_457] : memref<64x16384xf32, #tpu.memory_space<hbm>> -> memref<1x2048xf32, #tpu.memory_space<hbm>>
    tpu.wait_dma2 semaphore(%arg19 : memref<!tpu.dma_semaphore, #tpu.memory_space<semaphore_mem>>) src(%arg14 : memref<1x2048xf32, #tpu.memory_space<vmem>>) dst(%dma_wait3A_458 : memref<1x2048xf32, #tpu.memory_space<hbm>>)
    %parallel_loop3A_459 = arith.constant 0 : i32
    %parallel_loop3A_460 = arith.constant 128 : i32
    %parallel_loop3A_461 = arith.constant 1 : i32
    %parallel_loop3A_462 = arith.constant 0 : i32
    %parallel_loop3A_463 = arith.constant 0 : i32
    scf.for %parallel_loop3A_522 = %parallel_loop3A_459 to %parallel_loop3A_460 step %parallel_loop3A_461  : i32 {
      %parallel_loop3A_523 = arith.constant 16 : i32
      %parallel_loop3A_524 = arith.muli %parallel_loop3A_522, %parallel_loop3A_523 : i32
      %parallel_loop3A_525 = arith.index_cast %parallel_loop3A_524 : i32 to index
      %parallel_loop3A_526 = tpu.vector_load %arg12[%parallel_loop3A_525] {strides = array<i32>} : memref<2048xi32, #tpu.memory_space<vmem>>, vector<16xi32>,
      %parallel_loop3A_527 = arith.constant 0 : i32
      %parallel_loop3A_528 = tpu.memref_slice %arg10[%parallel_loop3A_462, %parallel_loop3A_527] : memref<1x100000xf32, #tpu.memory_space<vmem>> -> memref<1x100000xf32, #tpu.memory_space<vmem>>
      %parallel_loop3A_529 = tpu.memref_squeeze %parallel_loop3A_528 : memref<1x100000xf32, #tpu.memory_space<vmem>> -> memref<100000xf32, #tpu.memory_space<vmem>>
      %parallel_loop3A_530 = tpu.vector_load_idx %parallel_loop3A_529[%parallel_loop3A_526] : memref<100000xf32, #tpu.memory_space<vmem>>[vector<16xi32>], vector<16xf32>,
      %parallel_loop3A_531 = arith.constant 16 : i32
      %parallel_loop3A_532 = arith.muli %parallel_loop3A_522, %parallel_loop3A_531 : i32
      %parallel_loop3A_533 = arith.constant 0 : i32
      %parallel_loop3A_534 = tpu.memref_slice %arg14[%parallel_loop3A_463, %parallel_loop3A_533] : memref<1x2048xf32, #tpu.memory_space<vmem>> -> memref<1x2048xf32, #tpu.memory_space<vmem>>
      %parallel_loop3A_535 = tpu.memref_squeeze %parallel_loop3A_534 : memref<1x2048xf32, #tpu.memory_space<vmem>> -> memref<2048xf32, #tpu.memory_space<vmem>>
      %parallel_loop3A_536 = arith.index_cast %parallel_loop3A_532 : i32 to index
      %parallel_loop3A_537 = tpu.vector_load %parallel_loop3A_535[%parallel_loop3A_536] {strides = array<i32>} : memref<2048xf32, #tpu.memory_space<vmem>>, vector<16xf32>,
      tpu.vector_store %parallel_loop3A_535[%parallel_loop3A_536], %parallel_loop3A_530 {strides = array<i32>} : memref<2048xf32, #tpu.memory_space<vmem>>, vector<16xf32>,
    } {sc.loop_unroll_factor = 8 : i64, sc.parallel_access}
    %dma_start3A_464 = arith.constant 10240 : i32
    %dma_start3A_465 = tpu.memref_slice %arg5[%add3A_337, %dma_start3A_464] : memref<64x16384xf32, #tpu.memory_space<hbm>> -> memref<1x2048xf32, #tpu.memory_space<hbm>>
    %dma_start3A_466 = arith.constant 10240 : i32
    %dma_start3A_467 = tpu.memref_slice %arg5[%add3A_337, %dma_start3A_466] : memref<64x16384xf32, #tpu.memory_space<hbm>> -> memref<1x2048xf32, #tpu.memory_space<hbm>>
    tpu.enqueue_dma source(%arg14 : memref<1x2048xf32, #tpu.memory_space<vmem>>) target(%dma_start3A_467 : memref<1x2048xf32, #tpu.memory_space<hbm>>) target_semaphore(%arg19 : memref<!tpu.dma_semaphore, #tpu.memory_space<semaphore_mem>>)
    %dma_wait3A_468 = arith.constant 12288 : i32
    %dma_wait3A_469 = tpu.memref_slice %arg2[%dma_wait3A_468] : memref<16384xi32, #tpu.memory_space<hbm>> -> memref<2048xi32, #tpu.memory_space<hbm>>
    %dma_wait3A_470 = arith.constant 12288 : i32
    %dma_wait3A_471 = tpu.memref_slice %arg2[%dma_wait3A_470] : memref<16384xi32, #tpu.memory_space<hbm>> -> memref<2048xi32, #tpu.memory_space<hbm>>
    tpu.wait_dma2 semaphore(%arg18 : memref<!tpu.dma_semaphore, #tpu.memory_space<semaphore_mem>>) src(%dma_wait3A_471 : memref<2048xi32, #tpu.memory_space<hbm>>) dst(%arg11 : memref<2048xi32, #tpu.memory_space<vmem>>)
    %dma_start3A_472 = arith.constant 14336 : i32
    %dma_start3A_473 = tpu.memref_slice %arg2[%dma_start3A_472] : memref<16384xi32, #tpu.memory_space<hbm>> -> memref<2048xi32, #tpu.memory_space<hbm>>
    %dma_start3A_474 = arith.constant 14336 : i32
    %dma_start3A_475 = tpu.memref_slice %arg2[%dma_start3A_474] : memref<16384xi32, #tpu.memory_space<hbm>> -> memref<2048xi32, #tpu.memory_space<hbm>>
    tpu.enqueue_dma source(%dma_start3A_475 : memref<2048xi32, #tpu.memory_space<hbm>>) target(%arg12 : memref<2048xi32, #tpu.memory_space<vmem>>) target_semaphore(%arg18 : memref<!tpu.dma_semaphore, #tpu.memory_space<semaphore_mem>>)
    %dma_wait3A_476 = arith.constant 8192 : i32
    %dma_wait3A_477 = tpu.memref_slice %arg5[%add3A_337, %dma_wait3A_476] : memref<64x16384xf32, #tpu.memory_space<hbm>> -> memref<1x2048xf32, #tpu.memory_space<hbm>>
    %dma_wait3A_478 = arith.constant 8192 : i32
    %dma_wait3A_479 = tpu.memref_slice %arg5[%add3A_337, %dma_wait3A_478] : memref<64x16384xf32, #tpu.memory_space<hbm>> -> memref<1x2048xf32, #tpu.memory_space<hbm>>
    tpu.wait_dma2 semaphore(%arg19 : memref<!tpu.dma_semaphore, #tpu.memory_space<semaphore_mem>>) src(%arg13 : memref<1x2048xf32, #tpu.memory_space<vmem>>) dst(%dma_wait3A_479 : memref<1x2048xf32, #tpu.memory_space<hbm>>)
    %parallel_loop3A_480 = arith.constant 0 : i32
    %parallel_loop3A_481 = arith.constant 128 : i32
    %parallel_loop3A_482 = arith.constant 1 : i32
    %parallel_loop3A_483 = arith.constant 0 : i32
    %parallel_loop3A_484 = arith.constant 0 : i32
    scf.for %parallel_loop3A_522 = %parallel_loop3A_480 to %parallel_loop3A_481 step %parallel_loop3A_482  : i32 {
      %parallel_loop3A_523 = arith.constant 16 : i32
      %parallel_loop3A_524 = arith.muli %parallel_loop3A_522, %parallel_loop3A_523 : i32
      %parallel_loop3A_525 = arith.index_cast %parallel_loop3A_524 : i32 to index
      %parallel_loop3A_526 = tpu.vector_load %arg11[%parallel_loop3A_525] {strides = array<i32>} : memref<2048xi32, #tpu.memory_space<vmem>>, vector<16xi32>,
      %parallel_loop3A_527 = arith.constant 0 : i32
      %parallel_loop3A_528 = tpu.memref_slice %arg10[%parallel_loop3A_483, %parallel_loop3A_527] : memref<1x100000xf32, #tpu.memory_space<vmem>> -> memref<1x100000xf32, #tpu.memory_space<vmem>>
      %parallel_loop3A_529 = tpu.memref_squeeze %parallel_loop3A_528 : memref<1x100000xf32, #tpu.memory_space<vmem>> -> memref<100000xf32, #tpu.memory_space<vmem>>
      %parallel_loop3A_530 = tpu.vector_load_idx %parallel_loop3A_529[%parallel_loop3A_526] : memref<100000xf32, #tpu.memory_space<vmem>>[vector<16xi32>], vector<16xf32>,
      %parallel_loop3A_531 = arith.constant 16 : i32
      %parallel_loop3A_532 = arith.muli %parallel_loop3A_522, %parallel_loop3A_531 : i32
      %parallel_loop3A_533 = arith.constant 0 : i32
      %parallel_loop3A_534 = tpu.memref_slice %arg13[%parallel_loop3A_484, %parallel_loop3A_533] : memref<1x2048xf32, #tpu.memory_space<vmem>> -> memref<1x2048xf32, #tpu.memory_space<vmem>>
      %parallel_loop3A_535 = tpu.memref_squeeze %parallel_loop3A_534 : memref<1x2048xf32, #tpu.memory_space<vmem>> -> memref<2048xf32, #tpu.memory_space<vmem>>
      %parallel_loop3A_536 = arith.index_cast %parallel_loop3A_532 : i32 to index
      %parallel_loop3A_537 = tpu.vector_load %parallel_loop3A_535[%parallel_loop3A_536] {strides = array<i32>} : memref<2048xf32, #tpu.memory_space<vmem>>, vector<16xf32>,
      tpu.vector_store %parallel_loop3A_535[%parallel_loop3A_536], %parallel_loop3A_530 {strides = array<i32>} : memref<2048xf32, #tpu.memory_space<vmem>>, vector<16xf32>,
    } {sc.loop_unroll_factor = 8 : i64, sc.parallel_access}
    %dma_start3A_485 = arith.constant 12288 : i32
    %dma_start3A_486 = tpu.memref_slice %arg5[%add3A_337, %dma_start3A_485] : memref<64x16384xf32, #tpu.memory_space<hbm>> -> memref<1x2048xf32, #tpu.memory_space<hbm>>
    %dma_start3A_487 = arith.constant 12288 : i32
    %dma_start3A_488 = tpu.memref_slice %arg5[%add3A_337, %dma_start3A_487] : memref<64x16384xf32, #tpu.memory_space<hbm>> -> memref<1x2048xf32, #tpu.memory_space<hbm>>
    tpu.enqueue_dma source(%arg13 : memref<1x2048xf32, #tpu.memory_space<vmem>>) target(%dma_start3A_488 : memref<1x2048xf32, #tpu.memory_space<hbm>>) target_semaphore(%arg19 : memref<!tpu.dma_semaphore, #tpu.memory_space<semaphore_mem>>)
    %dma_wait3A_489 = arith.constant 14336 : i32
    %dma_wait3A_490 = tpu.memref_slice %arg2[%dma_wait3A_489] : memref<16384xi32, #tpu.memory_space<hbm>> -> memref<2048xi32, #tpu.memory_space<hbm>>
    %dma_wait3A_491 = arith.constant 14336 : i32
    %dma_wait3A_492 = tpu.memref_slice %arg2[%dma_wait3A_491] : memref<16384xi32, #tpu.memory_space<hbm>> -> memref<2048xi32, #tpu.memory_space<hbm>>
    tpu.wait_dma2 semaphore(%arg18 : memref<!tpu.dma_semaphore, #tpu.memory_space<semaphore_mem>>) src(%dma_wait3A_492 : memref<2048xi32, #tpu.memory_space<hbm>>) dst(%arg12 : memref<2048xi32, #tpu.memory_space<vmem>>)
    %dma_wait3A_493 = arith.constant 10240 : i32
    %dma_wait3A_494 = tpu.memref_slice %arg5[%add3A_337, %dma_wait3A_493] : memref<64x16384xf32, #tpu.memory_space<hbm>> -> memref<1x2048xf32, #tpu.memory_space<hbm>>
    %dma_wait3A_495 = arith.constant 10240 : i32
    %dma_wait3A_496 = tpu.memref_slice %arg5[%add3A_337, %dma_wait3A_495] : memref<64x16384xf32, #tpu.memory_space<hbm>> -> memref<1x2048xf32, #tpu.memory_space<hbm>>
    tpu.wait_dma2 semaphore(%arg19 : memref<!tpu.dma_semaphore, #tpu.memory_space<semaphore_mem>>) src(%arg14 : memref<1x2048xf32, #tpu.memory_space<vmem>>) dst(%dma_wait3A_496 : memref<1x2048xf32, #tpu.memory_space<hbm>>)
    %parallel_loop3A_497 = arith.constant 0 : i32
    %parallel_loop3A_498 = arith.constant 128 : i32
    %parallel_loop3A_499 = arith.constant 1 : i32
    %parallel_loop3A_500 = arith.constant 0 : i32
    %parallel_loop3A_501 = arith.constant 0 : i32
    scf.for %parallel_loop3A_522 = %parallel_loop3A_497 to %parallel_loop3A_498 step %parallel_loop3A_499  : i32 {
      %parallel_loop3A_523 = arith.constant 16 : i32
      %parallel_loop3A_524 = arith.muli %parallel_loop3A_522, %parallel_loop3A_523 : i32
      %parallel_loop3A_525 = arith.index_cast %parallel_loop3A_524 : i32 to index
      %parallel_loop3A_526 = tpu.vector_load %arg12[%parallel_loop3A_525] {strides = array<i32>} : memref<2048xi32, #tpu.memory_space<vmem>>, vector<16xi32>,
      %parallel_loop3A_527 = arith.constant 0 : i32
      %parallel_loop3A_528 = tpu.memref_slice %arg10[%parallel_loop3A_500, %parallel_loop3A_527] : memref<1x100000xf32, #tpu.memory_space<vmem>> -> memref<1x100000xf32, #tpu.memory_space<vmem>>
      %parallel_loop3A_529 = tpu.memref_squeeze %parallel_loop3A_528 : memref<1x100000xf32, #tpu.memory_space<vmem>> -> memref<100000xf32, #tpu.memory_space<vmem>>
      %parallel_loop3A_530 = tpu.vector_load_idx %parallel_loop3A_529[%parallel_loop3A_526] : memref<100000xf32, #tpu.memory_space<vmem>>[vector<16xi32>], vector<16xf32>,
      %parallel_loop3A_531 = arith.constant 16 : i32
      %parallel_loop3A_532 = arith.muli %parallel_loop3A_522, %parallel_loop3A_531 : i32
      %parallel_loop3A_533 = arith.constant 0 : i32
      %parallel_loop3A_534 = tpu.memref_slice %arg14[%parallel_loop3A_501, %parallel_loop3A_533] : memref<1x2048xf32, #tpu.memory_space<vmem>> -> memref<1x2048xf32, #tpu.memory_space<vmem>>
      %parallel_loop3A_535 = tpu.memref_squeeze %parallel_loop3A_534 : memref<1x2048xf32, #tpu.memory_space<vmem>> -> memref<2048xf32, #tpu.memory_space<vmem>>
      %parallel_loop3A_536 = arith.index_cast %parallel_loop3A_532 : i32 to index
      %parallel_loop3A_537 = tpu.vector_load %parallel_loop3A_535[%parallel_loop3A_536] {strides = array<i32>} : memref<2048xf32, #tpu.memory_space<vmem>>, vector<16xf32>,
      tpu.vector_store %parallel_loop3A_535[%parallel_loop3A_536], %parallel_loop3A_530 {strides = array<i32>} : memref<2048xf32, #tpu.memory_space<vmem>>, vector<16xf32>,
    } {sc.loop_unroll_factor = 8 : i64, sc.parallel_access}
    %dma_start3A_502 = arith.constant 14336 : i32
    %dma_start3A_503 = tpu.memref_slice %arg5[%add3A_337, %dma_start3A_502] : memref<64x16384xf32, #tpu.memory_space<hbm>> -> memref<1x2048xf32, #tpu.memory_space<hbm>>
    %dma_start3A_504 = arith.constant 14336 : i32
    %dma_start3A_505 = tpu.memref_slice %arg5[%add3A_337, %dma_start3A_504] : memref<64x16384xf32, #tpu.memory_space<hbm>> -> memref<1x2048xf32, #tpu.memory_space<hbm>>
    tpu.enqueue_dma source(%arg14 : memref<1x2048xf32, #tpu.memory_space<vmem>>) target(%dma_start3A_505 : memref<1x2048xf32, #tpu.memory_space<hbm>>) target_semaphore(%arg19 : memref<!tpu.dma_semaphore, #tpu.memory_space<semaphore_mem>>)
    %dma_wait3A_506 = arith.constant 12288 : i32
    %dma_wait3A_507 = tpu.memref_slice %arg5[%add3A_337, %dma_wait3A_506] : memref<64x16384xf32, #tpu.memory_space<hbm>> -> memref<1x2048xf32, #tpu.memory_space<hbm>>
    %dma_wait3A_508 = arith.constant 12288 : i32
    %dma_wait3A_509 = tpu.memref_slice %arg5[%add3A_337, %dma_wait3A_508] : memref<64x16384xf32, #tpu.memory_space<hbm>> -> memref<1x2048xf32, #tpu.memory_space<hbm>>
    tpu.wait_dma2 semaphore(%arg19 : memref<!tpu.dma_semaphore, #tpu.memory_space<semaphore_mem>>) src(%arg13 : memref<1x2048xf32, #tpu.memory_space<vmem>>) dst(%dma_wait3A_509 : memref<1x2048xf32, #tpu.memory_space<hbm>>)
    %dma_wait3A_510 = arith.constant 14336 : i32
    %dma_wait3A_511 = tpu.memref_slice %arg5[%add3A_337, %dma_wait3A_510] : memref<64x16384xf32, #tpu.memory_space<hbm>> -> memref<1x2048xf32, #tpu.memory_space<hbm>>
    %dma_wait3A_512 = arith.constant 14336 : i32
    %dma_wait3A_513 = tpu.memref_slice %arg5[%add3A_337, %dma_wait3A_512] : memref<64x16384xf32, #tpu.memory_space<hbm>> -> memref<1x2048xf32, #tpu.memory_space<hbm>>
    tpu.wait_dma2 semaphore(%arg19 : memref<!tpu.dma_semaphore, #tpu.memory_space<semaphore_mem>>) src(%arg14 : memref<1x2048xf32, #tpu.memory_space<vmem>>) dst(%dma_wait3A_513 : memref<1x2048xf32, #tpu.memory_space<hbm>>)
    %dma_wait3A_514 = arith.constant 0 : i32
    %dma_wait3A_515 = tpu.memref_slice %arg6[%add3A_282, %dma_wait3A_514] : memref<16384x128xf32, #tpu.memory_space<hbm>> -> memref<64x128xf32, #tpu.memory_space<hbm>>
    %dma_wait3A_516 = arith.constant 0 : i32
    %dma_wait3A_517 = tpu.memref_slice %arg6[%add3A_282, %dma_wait3A_516] : memref<16384x128xf32, #tpu.memory_space<hbm>> -> memref<64x128xf32, #tpu.memory_space<hbm>>
    tpu.wait_dma2 semaphore(%arg20 : memref<!tpu.dma_semaphore, #tpu.memory_space<semaphore_mem>>) src(%arg8 : memref<64x128xf32, #tpu.memory_space<vmem>>) dst(%dma_wait3A_517 : memref<64x128xf32, #tpu.memory_space<hbm>>)
    %dma_wait3A_518 = arith.constant 0 : i32
    %dma_wait3A_519 = tpu.memref_slice %arg6[%add3A_314, %dma_wait3A_518] : memref<16384x128xf32, #tpu.memory_space<hbm>> -> memref<64x128xf32, #tpu.memory_space<hbm>>
    %dma_wait3A_520 = arith.constant 0 : i32
    %dma_wait3A_521 = tpu.memref_slice %arg6[%add3A_314, %dma_wait3A_520] : memref<16384x128xf32, #tpu.memory_space<hbm>> -> memref<64x128xf32, #tpu.memory_space<hbm>>
    tpu.wait_dma2 semaphore(%arg20 : memref<!tpu.dma_semaphore, #tpu.memory_space<semaphore_mem>>) src(%arg9 : memref<64x128xf32, #tpu.memory_space<vmem>>) dst(%dma_wait3A_521 : memref<64x128xf32, #tpu.memory_space<hbm>>)
    return
  }
}

</mosaic_0001>

<sc_bundles>
// kernel: sc_dual_gather.3.cloned.1.call-start
scs
__scs_entry_jumppad:
0x0: {  	(pc) =	sbr.rel $0x88, $3  }
0x1: {  	(tag) =	ssettag $0x0;
	lr =	simm.s32 $0x1  }
0x2: {  	[smem:$0x3F9E] =	sst lr;
	_ =	strace $0xD0000000  }
0x3: {  	_ = 	snop  }
0x4: {  	_ = 	snop  }
0x5: {  	_ = 	snop  }
0x6: {  	_ = 	snop  }
0x7: {  	_ = 	snop  }
__scs_overlays_trampoline_lowered:
0x8: {  	[smem:$0x3FAD] =	sst s0  }
0x9: {  	[smem:$0x3FAE] =	sst s1  }
0xa: {  	[smem:$0x3FAF] =	sst s2  }
0xb: {  	[smem:$0x3FB0] =	sst s3  }
0xc: {  	[smem:$0x3FB1] =	sst s4  }
0xd: {  	[smem:$0x3FB2] =	sst s5  }
0xe: {  	[smem:$0x3FB3] =	sst s6  }
0xf: {  	[smem:$0x3FB4] =	sst s7  }
0x10: {  	[smem:$0x3FB5] =	sst s8  }
0x11: {  	[smem:$0x3FB6] =	sst s9;
	s0 =	simm.s32 @!p0 $0x0  }
0x12: {  	s1 =	sld [smem:$0x3F9C];
	s0 =	simm.s32 @p0 $0x1  }
0x13: {  	[smem:$0x3FB7] =	sst s0;
	s0 =	simm.s32 @!p1 $0x0  }
0x14: {  	s2 =	sld [smem:$0x3F9B];
	s0 =	simm.s32 @p1 $0x1  }
0x15: {  	[smem:$0x3FB8] =	sst s0;
	s0 =	simm.s32 @!p2 $0x0  }
0x16: {  	s3 =	sld [smem:$0x3FDB];
	s0 =	simm.s32 @p2 $0x1  }
0x17: {  	s4 =	simm.s32 $0x1BF5;
	[smem:$0x3FBA] =	sst s0  }
0x18: {  	s0 =	sld [smem:$0x3F9D];
	_ =	swait.ge [sflag:s4], $0x0  }
0x19: {  	s7 =	sld [smem:$0x3F9E]  }
0x1a: {  	s8 =	sadd.s32 $0xFFFFE003, lr  }
0x1b: {  	s9 =	sadd.s32 $0xFFFFFEF7, lr;
	s5 =	simm.s32 $0xFFFFFFFF;
	p2 =	slt.u32 s8, $0xFFFFF086  }
0x1c: {  	p1 =	slt.u32 s9, $0xF7A;
	s5 =	simm.s32 @!p2 $0x0  }
0x1d: {  	s5 =	simm.s32 @p1 $0x1;
	p0 =	seq.s32 s7, s2  }
0x1e: {  	s7 =	smul.u32 @!p0 $0xF7A, s2;
	p2 =	seq.s32 @!p0 s5, $0x0  }
0x1f: {  	s9 =	smul.u32 $0xF7A, s1;
	s8 =	simm.s32 @!p0 $0x1BF5;
	p2 =	por !p2, p0  }
0x20: {  	[sflag:s8] =	ssyncset.s32 @!p0 $0xFFFFF086;
	s6 =	sadd.s32 @!p0 s3, s7;
	s7 =	simm.s32 @!p0 $0x108  }
0x21: {  	s3 =	sadd.s32 s3, s9;
	s6 =	sadd.s32 @!p0 $0x88, s6;
	s7 =	simm.s32 @p2 $0x1082  }
0x22: {  	[simem:s7], [sflag:s8] =	dma.local @!p0 [hbm:s6], $0xF7A  }
0x23: {  	s9 =	sor.u32 $0xD0000000, s2;
	s6 =	simm.s32 $0x108;
	_ =	swait.ge @!p0 [sflag:s8], $0x0  }
0x24: {  	s3 =	sadd.s32 $0x88, s3;
	s6 =	simm.s32 @!p1 $0x1082;
	[sflag:s4] =	ssyncset.s32 $0xFFFFF086  }
0x25: {  	[simem:s6], [sflag:s4] =	dma.local [hbm:s3], $0xF7A  }
0x26: {  	[smem:$0x3F9E] =	sst s1;
	(tag) =	ssettag s2;
	_ =	strace s9  }
0x27: {  	s1 =	sld [smem:$0x3FAE]  }
0x28: {  	s2 =	sld [smem:$0x3FAF]  }
0x29: {  	s4 =	sld [smem:$0x3FB1]  }
0x2a: {  	p0 =	seq.s32 s5, $0x0;
	s5 =	sld [smem:$0x3FB2]  }
0x2b: {  	s6 =	sld [smem:$0x3FB3]  }
0x2c: {  	s7 =	sld [smem:$0x3FB4]  }
0x2d: {  	s3 =	simm.s32 $0x108;
	s8 =	sld [smem:$0x3FB5]  }
0x2e: {  	s3 =	simm.s32 @!p0 $0x1082;
	s9 =	sld [smem:$0x3FB6]  }
0x2f: {  	lr =	sadd.s32 s0, s3;
	s0 =	sld [smem:$0x3FAD]  }
0x30: {  	s3 =	sld [smem:$0x3FB0]  }
0x31: {  	[smem:$0x3FB9] =	sst s10  }
0x32: {  	s10 =	sld [smem:$0x3FB7];
	_ =	sdelay $0x3  }
0x33: {  	p0 =	seq.s32 s10, $0x1;
	s10 =	sld [smem:$0x3FB9];
	_ =	sdelay $0x3  }
0x34: {  	[smem:$0x3FB9] =	sst s10  }
0x35: {  	s10 =	sld [smem:$0x3FB8];
	_ =	sdelay $0x3  }
0x36: {  	p1 =	seq.s32 s10, $0x1;
	s10 =	sld [smem:$0x3FB9];
	_ =	sdelay $0x3  }
0x37: {  	[smem:$0x3FB9] =	sst s10  }
0x38: {  	s10 =	sld [smem:$0x3FBA]  }
0x39: {  	_ = 	snop;
	(pc) =	sbr.ind lr, $3  }
0x3a: {  	_ = 	snop  }
0x3b: {  	_ = 	snop  }
0x3c: {  	p2 =	seq.s32 s10, $0x1;
	s10 =	sld [smem:$0x3FB9]  }
0x3d: {  	_ =	shalt  }
0x3e: {  	_ =	shalt  }
0x3f: {  	_ =	shalt  }
0x40: {  	_ =	shalt  }
0x41: {  	_ =	shalt  }
0x42: {  	_ =	shalt  }
0x43: {  	_ =	shalt  }
0x44: {  	_ =	shalt  }
0x45: {  	_ =	shalt  }
0x46: {  	_ =	shalt  }
0x47: {  	_ =	shalt  }
0x48: {  	_ =	shalt  }
0x49: {  	_ =	shalt  }
0x4a: {  	_ =	shalt  }
0x4b: {  	_ =	shalt  }
0x4c: {  	_ =	shalt  }
0x4d: {  	_ =	shalt  }
0x4e: {  	_ =	shalt  }
0x4f: {  	_ =	shalt  }
0x50: {  	_ =	shalt  }
0x51: {  	_ =	shalt  }
0x52: {  	_ =	shalt  }
0x53: {  	_ =	shalt  }
0x54: {  	_ =	shalt  }
0x55: {  	_ =	shalt  }
0x56: {  	_ =	shalt  }
0x57: {  	_ =	shalt  }
0x58: {  	_ =	shalt  }
0x59: {  	_ =	shalt  }
0x5a: {  	_ =	shalt  }
0x5b: {  	_ =	shalt  }
0x5c: {  	_ =	shalt  }
0x5d: {  	_ =	shalt  }
0x5e: {  	_ =	shalt  }
0x5f: {  	_ =	shalt  }
0x60: {  	_ =	shalt  }
0x61: {  	_ =	shalt  }
0x62: {  	_ =	shalt  }
0x63: {  	_ =	shalt  }
0x64: {  	_ =	shalt  }
0x65: {  	_ =	shalt  }
0x66: {  	_ =	shalt  }
0x67: {  	_ =	shalt  }
0x68: {  	_ =	shalt  }
0x69: {  	_ =	shalt  }
0x6a: {  	_ =	shalt  }
0x6b: {  	_ =	shalt  }
0x6c: {  	_ =	shalt  }
0x6d: {  	_ =	shalt  }
0x6e: {  	_ =	shalt  }
0x6f: {  	_ =	shalt  }
0x70: {  	_ =	shalt  }
0x71: {  	_ =	shalt  }
0x72: {  	_ =	shalt  }
0x73: {  	_ =	shalt  }
0x74: {  	_ =	shalt  }
0x75: {  	_ =	shalt  }
0x76: {  	_ =	shalt  }
0x77: {  	_ =	shalt  }
0x78: {  	_ =	shalt  }
0x79: {  	_ =	shalt  }
0x7a: {  	_ =	shalt  }
0x7b: {  	_ =	shalt  }
0x7c: {  	_ =	shalt  }
0x7d: {  	_ =	shalt  }
0x7e: {  	_ =	shalt  }
0x7f: {  	_ =	shalt  }
0x80: {  	_ =	shalt  }
0x81: {  	_ =	shalt  }
0x82: {  	_ =	shalt  }
0x83: {  	_ =	shalt  }
0x84: {  	_ =	shalt  }
0x85: {  	_ =	shalt  }
0x86: {  	_ =	shalt  }
0x87: {  	_ =	shalt  }
.Lfunc_end0:
.L_simem_size_0:
called_computation_lowered:
.L_overlay_start_0:
0x88: {  	s2 =	sld [smem:$0x3FD9]  }
0x89: {  	s3 =	sld [smem:$0x3FFE];
	_ =	sdelay $0x1  }
0x8a: {  	s1 =	srdreg.scid  }
0x8b: {  	s0 =	sand.u32 $0x1, s1  }
0x8c: {  	s15 =	sshll.u32 s0, $0xA;
	s2 =	sadd.s32 s3, s2  }
0x8d: {  	s2 =	sadd.s32 s2, s15  }
0x8e: {  	[smem:$0x3FC5] =	sst s2  }
0x8f: {  	_ = 	snop  }
0x90: {  	s2 =	sld [smem:$0x3FD0]  }
0x91: {  	s16 =	sld [smem:$0x3FC9]  }
0x92: {  	s4 =	sld [smem:$0x3FC8]  }
0x93: {  	s6 =	simm.s32 $0xA;
	s7 =	simm.s32 $0x10;
	s5 =	sld [smem:$0x3FC7]  }
0x94: {  	[smem:s7], [sflag:s6] =	dma.local [hbm:s2], $0x1  }
0x95: {  	_ =	swait.eq [sflag:s6], $0x1  }
0x96: {  	[sflag:s6] =	ssyncset.done $0x0  }
0x97: {  	s17 =	sld [smem:$0x10];
	[sflag:s6] =	ssyncadd.s32 $0xFFFFFFFF  }
0x98: {  	s18 =	sld [smem:$0x11];
	(tm) =	ssettm $0x1  }
0x99: {  	s19 =	sld [smem:$0x3FFB];
	_ =	sdelay $0x3  }
0x9a: {  	_ =	strace s19  }
0x9b: {  	s7 =	sld [smem:$0x3FFC];
	_ =	sdelay $0x3  }
0x9c: {  	_ =	strace s7  }
0x9d: {  	s7 =	sld [smem:$0x3FFD];
	_ =	sdelay $0x3  }
0x9e: {  	_ =	strace s7  }
0x9f: {  	_ =	strace $0x8FFFFFFF  }
0xa0: {  	s20 =	sld [smem:$0x3FDB];
	_ =	sdelay $0x1  }
0xa1: {  	s8 =	simm.s32 $_scs_section_size  }
0xa2: {  	s9 =	simm.s32 $_size__tile_overlayer_lowered;
	s10 =	simm.s32 $_tile_overlayer_lowered  }
0xa3: {  	s23 =	simm.s32 $0x1BFF;
	s22 =	sshll.u32 s10, $0x1;
	s7 =	sadd.s32 s8, s20  }
0xa4: {  	s11 =	simm.s32 $0x0;
	s21 =	sshll.u32 s9, $0x1;
	s9 =	sadd.s32 s22, s7  }
0xa5: {  	[timem:s11], [sflag:s23] =	dma.local [hbm:s9], s21  }
0xa6: {  	_ =	swait.ge [sflag:s23], s21  }
0xa7: {  	s8 =	ssub.s32 $0x0, s21;
	[sflag:s23] =	ssyncset.done $0x0  }
0xa8: {  	[sflag:s23] =	ssyncadd.s32 s8;
	_ =	sdelay $0x1  }
0xa9: {  	s24 =	simm.s32 $0x1B8B  }
0xaa: {  	_ =	swait.ge [sflag:s24], $0x1  }
0xab: {  	[sflag:s24] =	ssyncset.done $0x0  }
0xac: {  	s25 =	simm.s32 $0x1B8E;
	[sflag:s24] =	ssyncadd.s32 $0xFFFFFFFF  }
0xad: {  	s26 =	simm.s32 $execute0_lowered;
	[smem:$0x3FD2] =	sst s25  }
0xae: {  	s8 =	sshll.u32 s26, $0x1;
	_ =	strace $0x80000046;
	[dreg:$0x1] =	wrdreg $0xFFFFFFFF  }
0xaf: {  	s28 =	simm.s32 $_size_execute0_lowered;
	s7 =	sadd.s32 s7, s8;
	[dreg:$0x0] =	wrdreg $0x0  }
0xb0: {  	s8 =	sshll.u32 s28, $0x1;
	[dreg:$0x2] =	wrdreg s7  }
0xb1: {  	[dreg:$0x3] =	wrdreg s8  }
0xb2: {  	[dreg:$0x4] =	wrdreg $0xC0  }
0xb3: {  	_ =	task [dreg:s11], $0x5FFFF  }
0xb4: {  	[dreg:$0x1] =	wrdreg $0xFFFFFFFF  }
0xb5: {  	[dreg:$0x0] =	wrdreg $0x60  }
0xb6: {  	[dreg:$0x2] =	wrdreg s16  }
0xb7: {  	[dreg:$0x3] =	wrdreg s4  }
0xb8: {  	[dreg:$0x4] =	wrdreg s5  }
0xb9: {  	[dreg:$0x5] =	wrdreg s17  }
0xba: {  	[dreg:$0x6] =	wrdreg s18  }
0xbb: {  	[dreg:$0x7] =	wrdreg $0x9  }
0xbc: {  	_ =	task.clear_ibuf [dreg:s11], $0x8FFFF;
	_ =	strace $0x90000046  }
0xbd: {  	s29 =	simm.s32 $0x9;
	_ =	strace $0x80000048  }
0xbe: {  	_ =	swait.ge [sflag:s29], $0x1  }
0xbf: {  	[sflag:s29] =	ssyncadd.s32 $0xFFFFFFFF  }
0xc0: {  	_ =	strace $0x90000048  }
0xc1: {  	_ =	sfence  }
0xc2: {  	s30 =	sld [smem:$0x0];
	_ =	sdelay $0x2  }
0xc3: {  	s31 =	sshll.u32 s1, $0xD;
	s1 =	sshrl.u32 s1, $0x2  }
0xc4: {  	s3 =	sand.u32 $0x4000, s31;
	s1 =	sadd.s32 s1, s30  }
0xc5: {  	s0 =	sor.u32 s3, s0;
	s1 =	sshll.u32 s1, $0x11  }
0xc6: {  	s0 =	sor.u32 s1, s0  }
0xc7: {  	s0 =	sadd.s32 $0x8F2B, s0  }
0xc8: {  	[sflag:s0] =	ssyncadd.remote.s32 $0x1  }
0xc9: {  	_ =	sfence.sel $0xFFFF  }
0xca: {  	[dreg:$0x0] =	wrdreg $0xFFFFFFFF;
	(pc) =	sbr.abs _section_cstart, $3  }
0xcb: {  	[dreg:$0x1] =	wrdreg $0xFFFFFFFF  }
0xcc: {  	_ =	task.clear_ibuf [dreg:s11], $0x2FFFF;
	_ =	strace $0x9FFFFFFF  }
0xcd: {  	(tm) =	ssettm $0x7FFFFFFF  }
tec
execute0_lowered:
.L_overlay_start_1:
0x0: {  	(tag) =	ssettag $0x1  }
0x1: {  	s17 =	rddreg [dreg:$0x0]  }
0x2: {  	s0 =	rddreg [dreg:$0x1]  }
0x3: {  	s2 =	rddreg [dreg:$0x2];
	s1 =	srdreg.scid  }
0x4: {  	s7 =	stileid.u32;
	s4 =	rddreg [dreg:$0x3]  }
0x5: {  	s5 =	rddreg [dreg:$0x4];
	s1 =	sand.u32 $0x1, s1;
	s3 =	sshll.u32 s7, $0x1  }
0x6: {  	s7 =	sshrl.u32 s7, $0x1;
	s18 =	sadd.s32 $0x800, s4;
	s19 =	sadd.s32 $0x1000, s4  }
0x7: {  	s21 =	sadd.s32 $0x2000, s4;
	s23 =	sadd.s32 $0x3000, s4;
	s6 =	sor.u32 s1, s3  }
0x8: {  	s26 =	sadd.s32 $0x3800, s4;
	s9 =	smul.u32 $0xC3800, s7;
	s8 =	sshll.u32 s6, $0x8  }
0x9: {  	s3 =	simm.s32 $0x0;
	s1 =	ssub.s32 $0x2, s1;
	s8 =	sand.u32 $0x300, s8  }
0xa: {  	s7 =	sshll.u32 s7, $0x11;
	[smem:$0x7FF] =	sst s3;
	s11 =	sor.u32 s9, s8  }
0xb: {  	s10 =	sshrl.u32 s1, $0x1;
	s14 =	sor.u32 s7, s8;
	s13 =	sshrl.u32 s11, $0x3  }
0xc: {  	s1 =	ssub.s32 s1, s10;
	s11 =	sshrl.u32 s14, $0x3;
	s10 =	sadd.s32 s0, s13  }
0xd: {  	s15 =	sshll.u32 s6, $0xD;
	s16 =	sadd.s32 s4, s11;
	[dreg:$0x6] =	wrdreg s10  }
0xe: {  	s5 =	sadd.s32 s5, s15;
	s12 =	sadd.s32 s11, s18;
	[dreg:$0x7] =	wrdreg s16  }
0xf: {  	s8 =	sor.u32 $0x80, s8;
	s14 =	sadd.s32 s11, s19;
	[dreg:$0x8] =	wrdreg s12  }
0x10: {  	s9 =	sor.u32 s9, s8;
	s15 =	sadd.s32 s11, s21;
	[dreg:$0x9] =	wrdreg s14  }
0x11: {  	s13 =	sadd.s32 $0x1800, s4;
	s24 =	sadd.s32 s11, s23;
	[dreg:$0xb] =	wrdreg s15  }
0x12: {  	s25 =	sshrl.u32 s9, $0x3;
	s9 =	sadd.s32 s11, s26;
	[dreg:$0xd] =	wrdreg s24  }
0x13: {  	s22 =	sadd.s32 $0x2800, s4;
	s20 =	sadd.s32 s11, s13;
	[dreg:$0xf] =	wrdreg s9  }
0x14: {  	s7 =	sor.u32 s7, s8;
	s16 =	sadd.s32 s11, s22;
	[dreg:$0xa] =	wrdreg s20  }
0x15: {  	s7 =	sshrl.u32 s7, $0x3;
	s0 =	sadd.s32 s0, s25;
	[dreg:$0xc] =	wrdreg s16  }
0x16: {  	s4 =	sadd.s32 s4, s7;
	[dreg:$0xe] =	wrdreg s0  }
0x17: {  	s29 =	simm.s32 $0x6;
	s10 =	sadd.s32 s7, s18;
	[dreg:$0x10] =	wrdreg s4  }
0x18: {  	s31 =	simm.s32 $0x2;
	s11 =	sadd.s32 s7, s19;
	[dreg:$0x11] =	wrdreg s10  }
0x19: {  	s28 =	sadd.s32 $0x200, s17;
	s12 =	sadd.s32 s7, s13;
	[dreg:$0x12] =	wrdreg s11  }
0x1a: {  	s30 =	sadd.s32 $0x300, s17;
	s13 =	sadd.s32 s7, s21;
	[dreg:$0x13] =	wrdreg s12  }
0x1b: {  	s8 =	simm.s32 $0x0;
	s14 =	sadd.s32 s7, s22;
	[dreg:$0x14] =	wrdreg s13  }
0x1c: {  	s15 =	sadd.s32 s7, s23;
	s18 =	smax.u32 s1, $0x1;
	[dreg:$0x15] =	wrdreg s14  }
0x1d: {  	[dreg:$0x16] =	wrdreg s15;
	s0 =	sadd.s32 s7, s26;
	s16 =	sshll.u32 s6, $0x6  }
0x1e: {  	s19 =	sadd.s32 $0x400, s5;
	[dreg:$0x17] =	wrdreg s0;
	s0 =	sadd.s32 s17, s16  }
0x1f: {  	s21 =	sadd.s32 $0xC00, s5;
	_ =	strace $0x80000047;
	[dreg:$0x18] =	wrdreg s0  }
0x20: {  	s22 =	sadd.s32 $0x1000, s5;
	s23 =	sadd.s32 $0x1400, s5;
	[dreg:$0x19] =	wrdreg s18  }
0x21: {  	s9 =	sadd.s32 $0x700, s17;
	s20 =	sadd.s32 $0x800, s5;
	[dreg:$0x1a] =	wrdreg s19  }
0x22: {  	s24 =	sadd.s32 $0x1800, s5;
	s25 =	sadd.s32 $0x1C00, s5;
	[dreg:$0x1b] =	wrdreg s20  }
0x23: {  	s26 =	sadd.s32 $0x100, s17;
	s4 =	sadd.s32 $0x500, s17;
	[dreg:$0x1c] =	wrdreg s21  }
0x24: {  	s7 =	sadd.s32 $0x600, s17;
	s12 =	simm.s32 $0x80;
	[dreg:$0x1d] =	wrdreg s22  }
0x25: {  	s13 =	simm.s32 $0x400;
	s14 =	simm.s32 $0x4200;
	[dreg:$0x1e] =	wrdreg s23  }
0x26: {  	s15 =	simm.s32 $0x7;
	s6 =	simm.s32 $0x5;
	[dreg:$0x1f] =	wrdreg s24  }
0x27: {  	s16 =	sadd.s32 $0x400, s17;
	s17 =	simm.s32 $0x40;
	[smem:$0x7FD] =	sst s25  }
0x28: {  	s18 =	simm.s32 $0x200;
	s19 =	simm.s32 $0x2200;
	s20 =	simm.s32 $0x1C900  }
0x29: {  	s21 =	simm.s32 $0x3;
	s22 =	simm.s32 $0x4;
	s23 =	simm.s32 $0x1D100  }
0x2a: {  	s24 =	simm.s32 $0x1;
	s25 =	simm.s32 $0x1D900;
	s0 =	simm.s32 $0x1E100  }
.LBB2_1:
0x2b: {  	s1 =	rddreg [dreg:$0x6]  }
0x2c: {  	[tilespmem:s14], [sflag:$0x3] =	stream.strided.gather [hbm4b:s1+s12], $0x18700, s13, s12, $0x38;
	[tilespmem:$0x1E900] =	vst v63  }
0x2d: {  	s11 =	rddreg [dreg:$0x18]  }
0x2e: {  	[tilespmem:s3], [sflag:$0x7] =	stream.linear.gather [hbm4b:s11+s3], $0x200, $0x38;
	[tilespmem:$0x1E900] =	vst v63  }
0x2f: {  	_ =	swait.ge [sflag:s15], $0x200  }
0x30: {  	[sflag:s15] =	ssyncset.done $0x0  }
0x31: {  	[sflag:s15] =	ssyncadd.s32 $0xFFFFFE00  }
0x32: {  	[tilespmem:s18], [sflag:$0x1] =	stream.indirect.gather [hbm4b:s2+s17], $0x80, s3, s17, $0xb8;
	[tilespmem:$0x1E900] =	vst v63  }
0x33: {  	_ = 	snop  }
0x34: {  	[tilespmem:s19], [sflag:$0x2] =	stream.indirect.gather [hbm4b:s2+s17], $0x80, s17, s17, $0xb8;
	[tilespmem:$0x1E900] =	vst v63  }
0x35: {  	s10 =	rddreg [dreg:$0x0]  }
0x36: {  	[tilespmem:s20], [sflag:$0x4] =	stream.linear.gather [hbm4b:s10+s3], $0x800, $0x38;
	[tilespmem:$0x1E900] =	vst v63  }
0x37: {  	_ =	swait.ge [sflag:s21], $0x18700  }
0x38: {  	[sflag:s21] =	ssyncset.done $0x0  }
0x39: {  	[sflag:s21] =	ssyncadd.s32 $0xFFFE7900  }
0x3a: {  	_ =	swait.ge [sflag:s22], $0x800  }
0x3b: {  	[sflag:s22] =	ssyncset.done $0x0  }
0x3c: {  	[sflag:s22] =	ssyncadd.s32 $0xFFFFF800  }
0x3d: {  	[tilespmem:s23], [sflag:$0x4] =	stream.linear.gather [hbm4b:s26+s3], $0x800, $0x38;
	[tilespmem:$0x1E900] =	vst v63  }
0x3e: {  	_ =	swait.ge [sflag:s24], $0x2000  }
0x3f: {  	[sflag:s24] =	ssyncset.done $0x0  }
0x40: {  	s11 =	simm.s32 $0x1C940;
	[sflag:s24] =	ssyncadd.s32 $0xFFFFE000  }
0x41: {  	[hbm4b:s5+s3] =	stream.linear.scatter [tilespmem:s18], [sflag:$0x6], $0x2000, $0x38;
	[tilespmem:$0x1E900] =	vst v63  }
0x42: {  	v0 =	vld [tilespmem:s11+$0x30]  }
0x43: {  	v1 =	vld [tilespmem:s11+$0xFFFFFFD0]  }
0x44: {  	v2 =	vld [tilespmem:s11+$0xFFFFFFE0]  }
0x45: {  	v3 =	vld [tilespmem:s11+$0xFFFFFFF0]  }
0x46: {  	v4 =	vld [tilespmem:s11+$0x0]  }
0x47: {  	v6 =	vld [tilespmem:s11+$0x10]  }
0x48: {  	v7 =	vld [tilespmem:s11+$0x20]  }
0x49: {  	v8 =	vld [tilespmem:s11+$0xFFFFFFC0]  }
0x4a: {  	v9 =	vld.idx.msk [tilespmem:v0+s14+$0x0], $0xffff  }
0x4b: {  	v10 =	vld.idx.msk [tilespmem:v1+s14+$0x0], $0xffff  }
0x4c: {  	v5 =	vld.idx.msk [tilespmem:v2+s14+$0x0], $0xffff  }
0x4d: {  	v3 =	vld.idx.msk [tilespmem:v3+s14+$0x0], $0xffff  }
0x4e: {  	v0 =	vld.idx.msk [tilespmem:v4+s14+$0x0], $0xffff  }
0x4f: {  	s10 =	simm.s32 $0x1D940;
	v1 =	vld.idx.msk [tilespmem:v6+s14+$0x0], $0xffff  }
0x50: {  	v2 =	vld.idx.msk [tilespmem:v7+s14+$0x0], $0xffff;
	[tilespmem:s10+$0x30] =	vst v9  }
0x51: {  	s1 =	simm.s32 $0x1C9C0;
	s11 =	simm.s32 $0x0;
	v4 =	vld.idx.msk [tilespmem:v8+s14+$0x0], $0xffff;
	[tilespmem:s10+$0xFFFFFFD0] =	vst v10  }
.LBB2_2:
0x52: {  	v6 =	vld [tilespmem:s1+$0x30];
	s11 =	sadd.s32 $0x8, s11;
	[tilespmem:s10+$0xFFFFFFE0] =	vst v5  }
0x53: {  	v5 =	vld [tilespmem:s1+$0xFFFFFFD0];
	p0 =	slt.u32 s11, $0x78;
	[tilespmem:s10+$0xFFFFFFF0] =	vst v3  }
0x54: {  	v3 =	vld [tilespmem:s1+$0xFFFFFFE0];
	[tilespmem:s10+$0x0] =	vst v0  }
0x55: {  	v0 =	vld [tilespmem:s1+$0xFFFFFFF0];
	[tilespmem:s10+$0x10] =	vst v1  }
0x56: {  	v1 =	vld [tilespmem:s1+$0x0];
	[tilespmem:s10+$0x20] =	vst v2  }
0x57: {  	v2 =	vld [tilespmem:s1+$0x10];
	[tilespmem:s10+$0xFFFFFFC0] =	vst v4  }
0x58: {  	v4 =	vld [tilespmem:s1+$0x20]  }
0x59: {  	v7 =	vld [tilespmem:s1+$0xFFFFFFC0]  }
0x5a: {  	v6 =	vld.idx.msk [tilespmem:v6+s14+$0x0], $0xffff  }
0x5b: {  	v8 =	vld.idx.msk [tilespmem:v5+s14+$0x0], $0xffff  }
0x5c: {  	v5 =	vld.idx.msk [tilespmem:v3+s14+$0x0], $0xffff  }
.Ltmp0:
0x5d: {  	v3 =	vld.idx.msk [tilespmem:v0+s14+$0x0], $0xffff;
	(pc) =	sbr.rel @p0 .LBB2_2-.Ltmp0, $4  }
0x5e: {  	v0 =	vld.idx.msk [tilespmem:v1+s14+$0x0], $0xffff  }
0x5f: {  	s10 =	sadd.s32 $0x80, s10;
	v1 =	vld.idx.msk [tilespmem:v2+s14+$0x0], $0xffff  }
0x60: {  	v2 =	vld.idx.msk [tilespmem:v4+s14+$0x0], $0xffff;
	[tilespmem:s10+$0x30] =	vst v6  }
0x61: {  	s1 =	sadd.s32 $0x80, s1;
	v4 =	vld.idx.msk [tilespmem:v7+s14+$0x0], $0xffff;
	[tilespmem:s10+$0xFFFFFFD0] =	vst v8  }
0x62: {  	[tilespmem:s10+$0xFFFFFFE0] =	vst v5  }
0x63: {  	[tilespmem:s10+$0xFFFFFFF0] =	vst v3  }
0x64: {  	[tilespmem:s10+$0x0] =	vst v0  }
0x65: {  	[tilespmem:s10+$0x10] =	vst v1  }
0x66: {  	[tilespmem:s10+$0x20] =	vst v2  }
0x67: {  	[tilespmem:s10+$0xFFFFFFC0] =	vst v4  }
0x68: {  	s1 =	rddreg [dreg:$0x7]  }
0x69: {  	[hbm4b:s1+s12] =	stream.strided.scatter [tilespmem:s25], [sflag:$0x5], $0x800, s13, s12, $0x38;
	[tilespmem:$0x1E900] =	vst v63  }
0x6a: {  	_ =	swait.ge [sflag:s29], $0x2000  }
0x6b: {  	[sflag:s29] =	ssyncset.done $0x0  }
0x6c: {  	[sflag:s29] =	ssyncadd.s32 $0xFFFFE000  }
0x6d: {  	[tilespmem:s18], [sflag:$0x1] =	stream.indirect.gather [hbm4b:s2+s17], $0x80, s12, s17, $0xb8;
	[tilespmem:$0x1E900] =	vst v63  }
0x6e: {  	_ =	swait.ge [sflag:s22], $0x800  }
0x6f: {  	[sflag:s22] =	ssyncset.done $0x0  }
0x70: {  	[sflag:s22] =	ssyncadd.s32 $0xFFFFF800  }
0x71: {  	[tilespmem:s20], [sflag:$0x4] =	stream.linear.gather [hbm4b:s28+s3], $0x800, $0x38;
	[tilespmem:$0x1E900] =	vst v63  }
0x72: {  	_ =	swait.ge [sflag:s31], $0x2000  }
0x73: {  	[sflag:s31] =	ssyncset.done $0x0  }
0x74: {  	s11 =	simm.s32 $0x1D140;
	s10 =	rddreg [dreg:$0x1a];
	[sflag:s31] =	ssyncadd.s32 $0xFFFFE000  }
0x75: {  	[hbm4b:s10+s3] =	stream.linear.scatter [tilespmem:s19], [sflag:$0x6], $0x2000, $0x38;
	[tilespmem:$0x1E900] =	vst v63  }
0x76: {  	v0 =	vld [tilespmem:s11+$0x30]  }
0x77: {  	v1 =	vld [tilespmem:s11+$0xFFFFFFD0]  }
0x78: {  	v2 =	vld [tilespmem:s11+$0xFFFFFFE0]  }
0x79: {  	v3 =	vld [tilespmem:s11+$0xFFFFFFF0]  }
0x7a: {  	v4 =	vld [tilespmem:s11+$0x0]  }
0x7b: {  	v6 =	vld [tilespmem:s11+$0x10]  }
0x7c: {  	v7 =	vld [tilespmem:s11+$0x20]  }
0x7d: {  	v8 =	vld [tilespmem:s11+$0xFFFFFFC0]  }
0x7e: {  	v9 =	vld.idx.msk [tilespmem:v0+s14+$0x0], $0xffff  }
0x7f: {  	v10 =	vld.idx.msk [tilespmem:v1+s14+$0x0], $0xffff  }
0x80: {  	v5 =	vld.idx.msk [tilespmem:v2+s14+$0x0], $0xffff  }
0x81: {  	v3 =	vld.idx.msk [tilespmem:v3+s14+$0x0], $0xffff  }
0x82: {  	v0 =	vld.idx.msk [tilespmem:v4+s14+$0x0], $0xffff  }
0x83: {  	s10 =	simm.s32 $0x1E140;
	v1 =	vld.idx.msk [tilespmem:v6+s14+$0x0], $0xffff  }
0x84: {  	v2 =	vld.idx.msk [tilespmem:v7+s14+$0x0], $0xffff;
	[tilespmem:s10+$0x30] =	vst v9  }
0x85: {  	s1 =	simm.s32 $0x1D1C0;
	s11 =	simm.s32 $0x0;
	v4 =	vld.idx.msk [tilespmem:v8+s14+$0x0], $0xffff;
	[tilespmem:s10+$0xFFFFFFD0] =	vst v10  }
.LBB2_4:
0x86: {  	v6 =	vld [tilespmem:s1+$0x30];
	s11 =	sadd.s32 $0x8, s11;
	[tilespmem:s10+$0xFFFFFFE0] =	vst v5  }
0x87: {  	v5 =	vld [tilespmem:s1+$0xFFFFFFD0];
	p0 =	slt.u32 s11, $0x78;
	[tilespmem:s10+$0xFFFFFFF0] =	vst v3  }
0x88: {  	v3 =	vld [tilespmem:s1+$0xFFFFFFE0];
	[tilespmem:s10+$0x0] =	vst v0  }
0x89: {  	v0 =	vld [tilespmem:s1+$0xFFFFFFF0];
	[tilespmem:s10+$0x10] =	vst v1  }
0x8a: {  	v1 =	vld [tilespmem:s1+$0x0];
	[tilespmem:s10+$0x20] =	vst v2  }
0x8b: {  	v2 =	vld [tilespmem:s1+$0x10];
	[tilespmem:s10+$0xFFFFFFC0] =	vst v4  }
0x8c: {  	v4 =	vld [tilespmem:s1+$0x20]  }
0x8d: {  	v7 =	vld [tilespmem:s1+$0xFFFFFFC0]  }
0x8e: {  	v6 =	vld.idx.msk [tilespmem:v6+s14+$0x0], $0xffff  }
0x8f: {  	v8 =	vld.idx.msk [tilespmem:v5+s14+$0x0], $0xffff  }
0x90: {  	v5 =	vld.idx.msk [tilespmem:v3+s14+$0x0], $0xffff  }
.Ltmp1:
0x91: {  	v3 =	vld.idx.msk [tilespmem:v0+s14+$0x0], $0xffff;
	(pc) =	sbr.rel @p0 .LBB2_4-.Ltmp1, $4  }
0x92: {  	v0 =	vld.idx.msk [tilespmem:v1+s14+$0x0], $0xffff  }
0x93: {  	s10 =	sadd.s32 $0x80, s10;
	v1 =	vld.idx.msk [tilespmem:v2+s14+$0x0], $0xffff  }
0x94: {  	v2 =	vld.idx.msk [tilespmem:v4+s14+$0x0], $0xffff;
	[tilespmem:s10+$0x30] =	vst v6  }
0x95: {  	s1 =	sadd.s32 $0x80, s1;
	v4 =	vld.idx.msk [tilespmem:v7+s14+$0x0], $0xffff;
	[tilespmem:s10+$0xFFFFFFD0] =	vst v8  }
0x96: {  	[tilespmem:s10+$0xFFFFFFE0] =	vst v5  }
0x97: {  	[tilespmem:s10+$0xFFFFFFF0] =	vst v3  }
0x98: {  	[tilespmem:s10+$0x0] =	vst v0  }
0x99: {  	[tilespmem:s10+$0x10] =	vst v1  }
0x9a: {  	[tilespmem:s10+$0x20] =	vst v2  }
0x9b: {  	[tilespmem:s10+$0xFFFFFFC0] =	vst v4  }
0x9c: {  	s1 =	rddreg [dreg:$0x8]  }
0x9d: {  	[hbm4b:s1+s12] =	stream.strided.scatter [tilespmem:s0], [sflag:$0x5], $0x800, s13, s12, $0x38;
	[tilespmem:$0x1E900] =	vst v63  }
0x9e: {  	_ =	swait.ge [sflag:s29], $0x2000  }
0x9f: {  	[sflag:s29] =	ssyncset.done $0x0  }
0xa0: {  	s11 =	simm.s32 $0xC0;
	[sflag:s29] =	ssyncadd.s32 $0xFFFFE000  }
0xa1: {  	[tilespmem:s19], [sflag:$0x2] =	stream.indirect.gather [hbm4b:s2+s17], $0x80, s11, s17, $0xb8;
	[tilespmem:$0x1E900] =	vst v63  }
0xa2: {  	_ =	swait.ge [sflag:s22], $0x800  }
0xa3: {  	[sflag:s22] =	ssyncset.done $0x0  }
0xa4: {  	[sflag:s22] =	ssyncadd.s32 $0xFFFFF800  }
0xa5: {  	[tilespmem:s23], [sflag:$0x4] =	stream.linear.gather [hbm4b:s30+s3], $0x800, $0x38;
	[tilespmem:$0x1E900] =	vst v63  }
0xa6: {  	_ =	swait.ge [sflag:s6], $0x800  }
0xa7: {  	[sflag:s6] =	ssyncset.done $0x0  }
0xa8: {  	[sflag:s6] =	ssyncadd.s32 $0xFFFFF800  }
0xa9: {  	_ =	swait.ge [sflag:s24], $0x2000  }
0xaa: {  	[sflag:s24] =	ssyncset.done $0x0  }
0xab: {  	s11 =	simm.s32 $0x1C940;
	s10 =	rddreg [dreg:$0x1b];
	[sflag:s24] =	ssyncadd.s32 $0xFFFFE000  }
0xac: {  	[hbm4b:s10+s3] =	stream.linear.scatter [tilespmem:s18], [sflag:$0x6], $0x2000, $0x38;
	[tilespmem:$0x1E900] =	vst v63  }
0xad: {  	v0 =	vld [tilespmem:s11+$0x30]  }
0xae: {  	v1 =	vld [tilespmem:s11+$0xFFFFFFD0]  }
0xaf: {  	v2 =	vld [tilespmem:s11+$0xFFFFFFE0]  }
0xb0: {  	v3 =	vld [tilespmem:s11+$0xFFFFFFF0]  }
0xb1: {  	v4 =	vld [tilespmem:s11+$0x0]  }
0xb2: {  	v6 =	vld [tilespmem:s11+$0x10]  }
0xb3: {  	v7 =	vld [tilespmem:s11+$0x20]  }
0xb4: {  	v8 =	vld [tilespmem:s11+$0xFFFFFFC0]  }
0xb5: {  	v9 =	vld.idx.msk [tilespmem:v0+s14+$0x0], $0xffff  }
0xb6: {  	v10 =	vld.idx.msk [tilespmem:v1+s14+$0x0], $0xffff  }
0xb7: {  	v5 =	vld.idx.msk [tilespmem:v2+s14+$0x0], $0xffff  }
0xb8: {  	v3 =	vld.idx.msk [tilespmem:v3+s14+$0x0], $0xffff  }
0xb9: {  	v0 =	vld.idx.msk [tilespmem:v4+s14+$0x0], $0xffff  }
0xba: {  	s10 =	simm.s32 $0x1D940;
	v1 =	vld.idx.msk [tilespmem:v6+s14+$0x0], $0xffff  }
0xbb: {  	v2 =	vld.idx.msk [tilespmem:v7+s14+$0x0], $0xffff;
	[tilespmem:s10+$0x30] =	vst v9  }
0xbc: {  	s1 =	simm.s32 $0x1C9C0;
	s11 =	simm.s32 $0x0;
	v4 =	vld.idx.msk [tilespmem:v8+s14+$0x0], $0xffff;
	[tilespmem:s10+$0xFFFFFFD0] =	vst v10  }
.LBB2_6:
0xbd: {  	v6 =	vld [tilespmem:s1+$0x30];
	s11 =	sadd.s32 $0x8, s11;
	[tilespmem:s10+$0xFFFFFFE0] =	vst v5  }
0xbe: {  	v5 =	vld [tilespmem:s1+$0xFFFFFFD0];
	p0 =	slt.u32 s11, $0x78;
	[tilespmem:s10+$0xFFFFFFF0] =	vst v3  }
0xbf: {  	v3 =	vld [tilespmem:s1+$0xFFFFFFE0];
	[tilespmem:s10+$0x0] =	vst v0  }
0xc0: {  	v0 =	vld [tilespmem:s1+$0xFFFFFFF0];
	[tilespmem:s10+$0x10] =	vst v1  }
0xc1: {  	v1 =	vld [tilespmem:s1+$0x0];
	[tilespmem:s10+$0x20] =	vst v2  }
0xc2: {  	v2 =	vld [tilespmem:s1+$0x10];
	[tilespmem:s10+$0xFFFFFFC0] =	vst v4  }
0xc3: {  	v4 =	vld [tilespmem:s1+$0x20]  }
0xc4: {  	v7 =	vld [tilespmem:s1+$0xFFFFFFC0]  }
0xc5: {  	v6 =	vld.idx.msk [tilespmem:v6+s14+$0x0], $0xffff  }
0xc6: {  	v8 =	vld.idx.msk [tilespmem:v5+s14+$0x0], $0xffff  }
0xc7: {  	v5 =	vld.idx.msk [tilespmem:v3+s14+$0x0], $0xffff  }
.Ltmp2:
0xc8: {  	v3 =	vld.idx.msk [tilespmem:v0+s14+$0x0], $0xffff;
	(pc) =	sbr.rel @p0 .LBB2_6-.Ltmp2, $4  }
0xc9: {  	v0 =	vld.idx.msk [tilespmem:v1+s14+$0x0], $0xffff  }
0xca: {  	s10 =	sadd.s32 $0x80, s10;
	v1 =	vld.idx.msk [tilespmem:v2+s14+$0x0], $0xffff  }
0xcb: {  	v2 =	vld.idx.msk [tilespmem:v4+s14+$0x0], $0xffff;
	[tilespmem:s10+$0x30] =	vst v6  }
0xcc: {  	s1 =	sadd.s32 $0x80, s1;
	v4 =	vld.idx.msk [tilespmem:v7+s14+$0x0], $0xffff;
	[tilespmem:s10+$0xFFFFFFD0] =	vst v8  }
0xcd: {  	[tilespmem:s10+$0xFFFFFFE0] =	vst v5  }
0xce: {  	[tilespmem:s10+$0xFFFFFFF0] =	vst v3  }
0xcf: {  	[tilespmem:s10+$0x0] =	vst v0  }
0xd0: {  	[tilespmem:s10+$0x10] =	vst v1  }
0xd1: {  	[tilespmem:s10+$0x20] =	vst v2  }
0xd2: {  	[tilespmem:s10+$0xFFFFFFC0] =	vst v4  }
0xd3: {  	s1 =	rddreg [dreg:$0x9]  }
0xd4: {  	[hbm4b:s1+s12] =	stream.strided.scatter [tilespmem:s25], [sflag:$0x5], $0x800, s13, s12, $0x38;
	[tilespmem:$0x1E900] =	vst v63  }
0xd5: {  	_ =	swait.ge [sflag:s29], $0x2000  }
0xd6: {  	[sflag:s29] =	ssyncset.done $0x0  }
0xd7: {  	s11 =	simm.s32 $0x100;
	[sflag:s29] =	ssyncadd.s32 $0xFFFFE000  }
0xd8: {  	[tilespmem:s18], [sflag:$0x1] =	stream.indirect.gather [hbm4b:s2+s17], $0x80, s11, s17, $0xb8;
	[tilespmem:$0x1E900] =	vst v63  }
0xd9: {  	_ =	swait.ge [sflag:s22], $0x800  }
0xda: {  	[sflag:s22] =	ssyncset.done $0x0  }
0xdb: {  	[sflag:s22] =	ssyncadd.s32 $0xFFFFF800  }
0xdc: {  	[tilespmem:s20], [sflag:$0x4] =	stream.linear.gather [hbm4b:s16+s3], $0x800, $0x38;
	[tilespmem:$0x1E900] =	vst v63  }
0xdd: {  	_ =	swait.ge [sflag:s6], $0x800  }
0xde: {  	[sflag:s6] =	ssyncset.done $0x0  }
0xdf: {  	[sflag:s6] =	ssyncadd.s32 $0xFFFFF800  }
0xe0: {  	_ =	swait.ge [sflag:s31], $0x2000  }
0xe1: {  	[sflag:s31] =	ssyncset.done $0x0  }
0xe2: {  	s11 =	simm.s32 $0x1D140;
	s10 =	rddreg [dreg:$0x1c];
	[sflag:s31] =	ssyncadd.s32 $0xFFFFE000  }
0xe3: {  	[hbm4b:s10+s3] =	stream.linear.scatter [tilespmem:s19], [sflag:$0x6], $0x2000, $0x38;
	[tilespmem:$0x1E900] =	vst v63  }
0xe4: {  	v0 =	vld [tilespmem:s11+$0x30]  }
0xe5: {  	v1 =	vld [tilespmem:s11+$0xFFFFFFD0]  }
0xe6: {  	v2 =	vld [tilespmem:s11+$0xFFFFFFE0]  }
0xe7: {  	v3 =	vld [tilespmem:s11+$0xFFFFFFF0]  }
0xe8: {  	v4 =	vld [tilespmem:s11+$0x0]  }
0xe9: {  	v6 =	vld [tilespmem:s11+$0x10]  }
0xea: {  	v7 =	vld [tilespmem:s11+$0x20]  }
0xeb: {  	v8 =	vld [tilespmem:s11+$0xFFFFFFC0]  }
0xec: {  	v9 =	vld.idx.msk [tilespmem:v0+s14+$0x0], $0xffff  }
0xed: {  	v10 =	vld.idx.msk [tilespmem:v1+s14+$0x0], $0xffff  }
0xee: {  	v5 =	vld.idx.msk [tilespmem:v2+s14+$0x0], $0xffff  }
0xef: {  	v3 =	vld.idx.msk [tilespmem:v3+s14+$0x0], $0xffff  }
0xf0: {  	v0 =	vld.idx.msk [tilespmem:v4+s14+$0x0], $0xffff  }
0xf1: {  	s10 =	simm.s32 $0x1E140;
	v1 =	vld.idx.msk [tilespmem:v6+s14+$0x0], $0xffff  }
0xf2: {  	v2 =	vld.idx.msk [tilespmem:v7+s14+$0x0], $0xffff;
	[tilespmem:s10+$0x30] =	vst v9  }
0xf3: {  	s1 =	simm.s32 $0x1D1C0;
	s11 =	simm.s32 $0x0;
	v4 =	vld.idx.msk [tilespmem:v8+s14+$0x0], $0xffff;
	[tilespmem:s10+$0xFFFFFFD0] =	vst v10  }
.LBB2_8:
0xf4: {  	v6 =	vld [tilespmem:s1+$0x30];
	s11 =	sadd.s32 $0x8, s11;
	[tilespmem:s10+$0xFFFFFFE0] =	vst v5  }
0xf5: {  	v5 =	vld [tilespmem:s1+$0xFFFFFFD0];
	p0 =	slt.u32 s11, $0x78;
	[tilespmem:s10+$0xFFFFFFF0] =	vst v3  }
0xf6: {  	v3 =	vld [tilespmem:s1+$0xFFFFFFE0];
	[tilespmem:s10+$0x0] =	vst v0  }
0xf7: {  	v0 =	vld [tilespmem:s1+$0xFFFFFFF0];
	[tilespmem:s10+$0x10] =	vst v1  }
0xf8: {  	v1 =	vld [tilespmem:s1+$0x0];
	[tilespmem:s10+$0x20] =	vst v2  }
0xf9: {  	v2 =	vld [tilespmem:s1+$0x10];
	[tilespmem:s10+$0xFFFFFFC0] =	vst v4  }
0xfa: {  	v4 =	vld [tilespmem:s1+$0x20]  }
0xfb: {  	v7 =	vld [tilespmem:s1+$0xFFFFFFC0]  }
0xfc: {  	v6 =	vld.idx.msk [tilespmem:v6+s14+$0x0], $0xffff  }
0xfd: {  	v8 =	vld.idx.msk [tilespmem:v5+s14+$0x0], $0xffff  }
0xfe: {  	v5 =	vld.idx.msk [tilespmem:v3+s14+$0x0], $0xffff  }
.Ltmp3:
0xff: {  	v3 =	vld.idx.msk [tilespmem:v0+s14+$0x0], $0xffff;
	(pc) =	sbr.rel @p0 .LBB2_8-.Ltmp3, $4  }
0x100: {  	v0 =	vld.idx.msk [tilespmem:v1+s14+$0x0], $0xffff  }
0x101: {  	s10 =	sadd.s32 $0x80, s10;
	v1 =	vld.idx.msk [tilespmem:v2+s14+$0x0], $0xffff  }
0x102: {  	v2 =	vld.idx.msk [tilespmem:v4+s14+$0x0], $0xffff;
	[tilespmem:s10+$0x30] =	vst v6  }
0x103: {  	s1 =	sadd.s32 $0x80, s1;
	v4 =	vld.idx.msk [tilespmem:v7+s14+$0x0], $0xffff;
	[tilespmem:s10+$0xFFFFFFD0] =	vst v8  }
0x104: {  	[tilespmem:s10+$0xFFFFFFE0] =	vst v5  }
0x105: {  	[tilespmem:s10+$0xFFFFFFF0] =	vst v3  }
0x106: {  	[tilespmem:s10+$0x0] =	vst v0  }
0x107: {  	[tilespmem:s10+$0x10] =	vst v1  }
0x108: {  	[tilespmem:s10+$0x20] =	vst v2  }
0x109: {  	[tilespmem:s10+$0xFFFFFFC0] =	vst v4  }
0x10a: {  	s1 =	rddreg [dreg:$0xa]  }
0x10b: {  	[hbm4b:s1+s12] =	stream.strided.scatter [tilespmem:s0], [sflag:$0x5], $0x800, s13, s12, $0x38;
	[tilespmem:$0x1E900] =	vst v63  }
0x10c: {  	_ =	swait.ge [sflag:s29], $0x2000  }
0x10d: {  	[sflag:s29] =	ssyncset.done $0x0  }
0x10e: {  	s11 =	simm.s32 $0x140;
	[sflag:s29] =	ssyncadd.s32 $0xFFFFE000  }
0x10f: {  	[tilespmem:s19], [sflag:$0x2] =	stream.indirect.gather [hbm4b:s2+s17], $0x80, s11, s17, $0xb8;
	[tilespmem:$0x1E900] =	vst v63  }
0x110: {  	_ =	swait.ge [sflag:s22], $0x800  }
0x111: {  	[sflag:s22] =	ssyncset.done $0x0  }
0x112: {  	[sflag:s22] =	ssyncadd.s32 $0xFFFFF800  }
0x113: {  	[tilespmem:s23], [sflag:$0x4] =	stream.linear.gather [hbm4b:s4+s3], $0x800, $0x38;
	[tilespmem:$0x1E900] =	vst v63  }
0x114: {  	_ =	swait.ge [sflag:s6], $0x800  }
0x115: {  	[sflag:s6] =	ssyncset.done $0x0  }
0x116: {  	[sflag:s6] =	ssyncadd.s32 $0xFFFFF800  }
0x117: {  	_ =	swait.ge [sflag:s24], $0x2000  }
0x118: {  	[sflag:s24] =	ssyncset.done $0x0  }
0x119: {  	s11 =	simm.s32 $0x1C940;
	s10 =	rddreg [dreg:$0x1d];
	[sflag:s24] =	ssyncadd.s32 $0xFFFFE000  }
0x11a: {  	[hbm4b:s10+s3] =	stream.linear.scatter [tilespmem:s18], [sflag:$0x6], $0x2000, $0x38;
	[tilespmem:$0x1E900] =	vst v63  }
0x11b: {  	v0 =	vld [tilespmem:s11+$0x30]  }
0x11c: {  	v1 =	vld [tilespmem:s11+$0xFFFFFFD0]  }
0x11d: {  	v2 =	vld [tilespmem:s11+$0xFFFFFFE0]  }
0x11e: {  	v3 =	vld [tilespmem:s11+$0xFFFFFFF0]  }
0x11f: {  	v4 =	vld [tilespmem:s11+$0x0]  }
0x120: {  	v6 =	vld [tilespmem:s11+$0x10]  }
0x121: {  	v7 =	vld [tilespmem:s11+$0x20]  }
0x122: {  	v8 =	vld [tilespmem:s11+$0xFFFFFFC0]  }
0x123: {  	v9 =	vld.idx.msk [tilespmem:v0+s14+$0x0], $0xffff  }
0x124: {  	v10 =	vld.idx.msk [tilespmem:v1+s14+$0x0], $0xffff  }
0x125: {  	v5 =	vld.idx.msk [tilespmem:v2+s14+$0x0], $0xffff  }
0x126: {  	v3 =	vld.idx.msk [tilespmem:v3+s14+$0x0], $0xffff  }
0x127: {  	v0 =	vld.idx.msk [tilespmem:v4+s14+$0x0], $0xffff  }
0x128: {  	s10 =	simm.s32 $0x1D940;
	v1 =	vld.idx.msk [tilespmem:v6+s14+$0x0], $0xffff  }
0x129: {  	v2 =	vld.idx.msk [tilespmem:v7+s14+$0x0], $0xffff;
	[tilespmem:s10+$0x30] =	vst v9  }
0x12a: {  	s1 =	simm.s32 $0x1C9C0;
	s11 =	simm.s32 $0x0;
	v4 =	vld.idx.msk [tilespmem:v8+s14+$0x0], $0xffff;
	[tilespmem:s10+$0xFFFFFFD0] =	vst v10  }
.LBB2_10:
0x12b: {  	v6 =	vld [tilespmem:s1+$0x30];
	s11 =	sadd.s32 $0x8, s11;
	[tilespmem:s10+$0xFFFFFFE0] =	vst v5  }
0x12c: {  	v5 =	vld [tilespmem:s1+$0xFFFFFFD0];
	p0 =	slt.u32 s11, $0x78;
	[tilespmem:s10+$0xFFFFFFF0] =	vst v3  }
0x12d: {  	v3 =	vld [tilespmem:s1+$0xFFFFFFE0];
	[tilespmem:s10+$0x0] =	vst v0  }
0x12e: {  	v0 =	vld [tilespmem:s1+$0xFFFFFFF0];
	[tilespmem:s10+$0x10] =	vst v1  }
0x12f: {  	v1 =	vld [tilespmem:s1+$0x0];
	[tilespmem:s10+$0x20] =	vst v2  }
0x130: {  	v2 =	vld [tilespmem:s1+$0x10];
	[tilespmem:s10+$0xFFFFFFC0] =	vst v4  }
0x131: {  	v4 =	vld [tilespmem:s1+$0x20]  }
0x132: {  	v7 =	vld [tilespmem:s1+$0xFFFFFFC0]  }
0x133: {  	v6 =	vld.idx.msk [tilespmem:v6+s14+$0x0], $0xffff  }
0x134: {  	v8 =	vld.idx.msk [tilespmem:v5+s14+$0x0], $0xffff  }
0x135: {  	v5 =	vld.idx.msk [tilespmem:v3+s14+$0x0], $0xffff  }
.Ltmp4:
0x136: {  	v3 =	vld.idx.msk [tilespmem:v0+s14+$0x0], $0xffff;
	(pc) =	sbr.rel @p0 .LBB2_10-.Ltmp4, $4  }
0x137: {  	v0 =	vld.idx.msk [tilespmem:v1+s14+$0x0], $0xffff  }
0x138: {  	s10 =	sadd.s32 $0x80, s10;
	v1 =	vld.idx.msk [tilespmem:v2+s14+$0x0], $0xffff  }
0x139: {  	v2 =	vld.idx.msk [tilespmem:v4+s14+$0x0], $0xffff;
	[tilespmem:s10+$0x30] =	vst v6  }
0x13a: {  	s1 =	sadd.s32 $0x80, s1;
	v4 =	vld.idx.msk [tilespmem:v7+s14+$0x0], $0xffff;
	[tilespmem:s10+$0xFFFFFFD0] =	vst v8  }
0x13b: {  	[tilespmem:s10+$0xFFFFFFE0] =	vst v5  }
0x13c: {  	[tilespmem:s10+$0xFFFFFFF0] =	vst v3  }
0x13d: {  	[tilespmem:s10+$0x0] =	vst v0  }
0x13e: {  	[tilespmem:s10+$0x10] =	vst v1  }
0x13f: {  	[tilespmem:s10+$0x20] =	vst v2  }
0x140: {  	[tilespmem:s10+$0xFFFFFFC0] =	vst v4  }
0x141: {  	s1 =	rddreg [dreg:$0xb]  }
0x142: {  	[hbm4b:s1+s12] =	stream.strided.scatter [tilespmem:s25], [sflag:$0x5], $0x800, s13, s12, $0x38;
	[tilespmem:$0x1E900] =	vst v63  }
0x143: {  	_ =	swait.ge [sflag:s29], $0x2000  }
0x144: {  	[sflag:s29] =	ssyncset.done $0x0  }
0x145: {  	s11 =	simm.s32 $0x180;
	[sflag:s29] =	ssyncadd.s32 $0xFFFFE000  }
0x146: {  	[tilespmem:s18], [sflag:$0x1] =	stream.indirect.gather [hbm4b:s2+s17], $0x80, s11, s17, $0xb8;
	[tilespmem:$0x1E900] =	vst v63  }
0x147: {  	_ =	swait.ge [sflag:s22], $0x800  }
0x148: {  	[sflag:s22] =	ssyncset.done $0x0  }
0x149: {  	[sflag:s22] =	ssyncadd.s32 $0xFFFFF800  }
0x14a: {  	[tilespmem:s20], [sflag:$0x4] =	stream.linear.gather [hbm4b:s7+s3], $0x800, $0x38;
	[tilespmem:$0x1E900] =	vst v63  }
0x14b: {  	_ =	swait.ge [sflag:s6], $0x800  }
0x14c: {  	[sflag:s6] =	ssyncset.done $0x0  }
0x14d: {  	[sflag:s6] =	ssyncadd.s32 $0xFFFFF800  }
0x14e: {  	_ =	swait.ge [sflag:s31], $0x2000  }
0x14f: {  	[sflag:s31] =	ssyncset.done $0x0  }
0x150: {  	s11 =	simm.s32 $0x1D140;
	s10 =	rddreg [dreg:$0x1e];
	[sflag:s31] =	ssyncadd.s32 $0xFFFFE000  }
0x151: {  	[hbm4b:s10+s3] =	stream.linear.scatter [tilespmem:s19], [sflag:$0x6], $0x2000, $0x38;
	[tilespmem:$0x1E900] =	vst v63  }
0x152: {  	v0 =	vld [tilespmem:s11+$0x30]  }
0x153: {  	v1 =	vld [tilespmem:s11+$0xFFFFFFD0]  }
0x154: {  	v2 =	vld [tilespmem:s11+$0xFFFFFFE0]  }
0x155: {  	v3 =	vld [tilespmem:s11+$0xFFFFFFF0]  }
0x156: {  	v4 =	vld [tilespmem:s11+$0x0]  }
0x157: {  	v6 =	vld [tilespmem:s11+$0x10]  }
0x158: {  	v7 =	vld [tilespmem:s11+$0x20]  }
0x159: {  	v8 =	vld [tilespmem:s11+$0xFFFFFFC0]  }
0x15a: {  	v9 =	vld.idx.msk [tilespmem:v0+s14+$0x0], $0xffff  }
0x15b: {  	v10 =	vld.idx.msk [tilespmem:v1+s14+$0x0], $0xffff  }
0x15c: {  	v5 =	vld.idx.msk [tilespmem:v2+s14+$0x0], $0xffff  }
0x15d: {  	v3 =	vld.idx.msk [tilespmem:v3+s14+$0x0], $0xffff  }
0x15e: {  	v0 =	vld.idx.msk [tilespmem:v4+s14+$0x0], $0xffff  }
0x15f: {  	s10 =	simm.s32 $0x1E140;
	v1 =	vld.idx.msk [tilespmem:v6+s14+$0x0], $0xffff  }
0x160: {  	v2 =	vld.idx.msk [tilespmem:v7+s14+$0x0], $0xffff;
	[tilespmem:s10+$0x30] =	vst v9  }
0x161: {  	s1 =	simm.s32 $0x1D1C0;
	s11 =	simm.s32 $0x0;
	v4 =	vld.idx.msk [tilespmem:v8+s14+$0x0], $0xffff;
	[tilespmem:s10+$0xFFFFFFD0] =	vst v10  }
.LBB2_12:
0x162: {  	v6 =	vld [tilespmem:s1+$0x30];
	s11 =	sadd.s32 $0x8, s11;
	[tilespmem:s10+$0xFFFFFFE0] =	vst v5  }
0x163: {  	v5 =	vld [tilespmem:s1+$0xFFFFFFD0];
	p0 =	slt.u32 s11, $0x78;
	[tilespmem:s10+$0xFFFFFFF0] =	vst v3  }
0x164: {  	v3 =	vld [tilespmem:s1+$0xFFFFFFE0];
	[tilespmem:s10+$0x0] =	vst v0  }
0x165: {  	v0 =	vld [tilespmem:s1+$0xFFFFFFF0];
	[tilespmem:s10+$0x10] =	vst v1  }
0x166: {  	v1 =	vld [tilespmem:s1+$0x0];
	[tilespmem:s10+$0x20] =	vst v2  }
0x167: {  	v2 =	vld [tilespmem:s1+$0x10];
	[tilespmem:s10+$0xFFFFFFC0] =	vst v4  }
0x168: {  	v4 =	vld [tilespmem:s1+$0x20]  }
0x169: {  	v7 =	vld [tilespmem:s1+$0xFFFFFFC0]  }
0x16a: {  	v6 =	vld.idx.msk [tilespmem:v6+s14+$0x0], $0xffff  }
0x16b: {  	v8 =	vld.idx.msk [tilespmem:v5+s14+$0x0], $0xffff  }
0x16c: {  	v5 =	vld.idx.msk [tilespmem:v3+s14+$0x0], $0xffff  }
.Ltmp5:
0x16d: {  	v3 =	vld.idx.msk [tilespmem:v0+s14+$0x0], $0xffff;
	(pc) =	sbr.rel @p0 .LBB2_12-.Ltmp5, $4  }
0x16e: {  	v0 =	vld.idx.msk [tilespmem:v1+s14+$0x0], $0xffff  }
0x16f: {  	s10 =	sadd.s32 $0x80, s10;
	v1 =	vld.idx.msk [tilespmem:v2+s14+$0x0], $0xffff  }
0x170: {  	v2 =	vld.idx.msk [tilespmem:v4+s14+$0x0], $0xffff;
	[tilespmem:s10+$0x30] =	vst v6  }
0x171: {  	s1 =	sadd.s32 $0x80, s1;
	v4 =	vld.idx.msk [tilespmem:v7+s14+$0x0], $0xffff;
	[tilespmem:s10+$0xFFFFFFD0] =	vst v8  }
0x172: {  	[tilespmem:s10+$0xFFFFFFE0] =	vst v5  }
0x173: {  	[tilespmem:s10+$0xFFFFFFF0] =	vst v3  }
0x174: {  	[tilespmem:s10+$0x0] =	vst v0  }
0x175: {  	[tilespmem:s10+$0x10] =	vst v1  }
0x176: {  	[tilespmem:s10+$0x20] =	vst v2  }
0x177: {  	[tilespmem:s10+$0xFFFFFFC0] =	vst v4  }
0x178: {  	s1 =	rddreg [dreg:$0xc]  }
0x179: {  	[hbm4b:s1+s12] =	stream.strided.scatter [tilespmem:s0], [sflag:$0x5], $0x800, s13, s12, $0x38;
	[tilespmem:$0x1E900] =	vst v63  }
0x17a: {  	_ =	swait.ge [sflag:s29], $0x2000  }
0x17b: {  	[sflag:s29] =	ssyncset.done $0x0  }
0x17c: {  	s11 =	simm.s32 $0x1C0;
	[sflag:s29] =	ssyncadd.s32 $0xFFFFE000  }
0x17d: {  	[tilespmem:s19], [sflag:$0x2] =	stream.indirect.gather [hbm4b:s2+s17], $0x80, s11, s17, $0xb8;
	[tilespmem:$0x1E900] =	vst v63  }
0x17e: {  	_ =	swait.ge [sflag:s22], $0x800  }
0x17f: {  	[sflag:s22] =	ssyncset.done $0x0  }
0x180: {  	[sflag:s22] =	ssyncadd.s32 $0xFFFFF800  }
0x181: {  	[tilespmem:s23], [sflag:$0x4] =	stream.linear.gather [hbm4b:s9+s3], $0x800, $0x38;
	[tilespmem:$0x1E900] =	vst v63  }
0x182: {  	_ =	swait.ge [sflag:s6], $0x800  }
0x183: {  	[sflag:s6] =	ssyncset.done $0x0  }
0x184: {  	[sflag:s6] =	ssyncadd.s32 $0xFFFFF800  }
0x185: {  	_ =	swait.ge [sflag:s24], $0x2000  }
0x186: {  	[sflag:s24] =	ssyncset.done $0x0  }
0x187: {  	s11 =	simm.s32 $0x1C940;
	s10 =	rddreg [dreg:$0x1f];
	[sflag:s24] =	ssyncadd.s32 $0xFFFFE000  }
0x188: {  	[hbm4b:s10+s3] =	stream.linear.scatter [tilespmem:s18], [sflag:$0x6], $0x2000, $0x38;
	[tilespmem:$0x1E900] =	vst v63  }
0x189: {  	v0 =	vld [tilespmem:s11+$0x30]  }
0x18a: {  	v1 =	vld [tilespmem:s11+$0xFFFFFFD0]  }
0x18b: {  	v2 =	vld [tilespmem:s11+$0xFFFFFFE0]  }
0x18c: {  	v3 =	vld [tilespmem:s11+$0xFFFFFFF0]  }
0x18d: {  	v4 =	vld [tilespmem:s11+$0x0]  }
0x18e: {  	v6 =	vld [tilespmem:s11+$0x10]  }
0x18f: {  	v7 =	vld [tilespmem:s11+$0x20]  }
0x190: {  	v8 =	vld [tilespmem:s11+$0xFFFFFFC0]  }
0x191: {  	v9 =	vld.idx.msk [tilespmem:v0+s14+$0x0], $0xffff  }
0x192: {  	v10 =	vld.idx.msk [tilespmem:v1+s14+$0x0], $0xffff  }
0x193: {  	v5 =	vld.idx.msk [tilespmem:v2+s14+$0x0], $0xffff  }
0x194: {  	v3 =	vld.idx.msk [tilespmem:v3+s14+$0x0], $0xffff  }
0x195: {  	v0 =	vld.idx.msk [tilespmem:v4+s14+$0x0], $0xffff  }
0x196: {  	s10 =	simm.s32 $0x1D940;
	v1 =	vld.idx.msk [tilespmem:v6+s14+$0x0], $0xffff  }
0x197: {  	v2 =	vld.idx.msk [tilespmem:v7+s14+$0x0], $0xffff;
	[tilespmem:s10+$0x30] =	vst v9  }
0x198: {  	s1 =	simm.s32 $0x1C9C0;
	s11 =	simm.s32 $0x0;
	v4 =	vld.idx.msk [tilespmem:v8+s14+$0x0], $0xffff;
	[tilespmem:s10+$0xFFFFFFD0] =	vst v10  }
.LBB2_14:
0x199: {  	v6 =	vld [tilespmem:s1+$0x30];
	s11 =	sadd.s32 $0x8, s11;
	[tilespmem:s10+$0xFFFFFFE0] =	vst v5  }
0x19a: {  	v5 =	vld [tilespmem:s1+$0xFFFFFFD0];
	p0 =	slt.u32 s11, $0x78;
	[tilespmem:s10+$0xFFFFFFF0] =	vst v3  }
0x19b: {  	v3 =	vld [tilespmem:s1+$0xFFFFFFE0];
	[tilespmem:s10+$0x0] =	vst v0  }
0x19c: {  	v0 =	vld [tilespmem:s1+$0xFFFFFFF0];
	[tilespmem:s10+$0x10] =	vst v1  }
0x19d: {  	v1 =	vld [tilespmem:s1+$0x0];
	[tilespmem:s10+$0x20] =	vst v2  }
0x19e: {  	v2 =	vld [tilespmem:s1+$0x10];
	[tilespmem:s10+$0xFFFFFFC0] =	vst v4  }
0x19f: {  	v4 =	vld [tilespmem:s1+$0x20]  }
0x1a0: {  	v7 =	vld [tilespmem:s1+$0xFFFFFFC0]  }
0x1a1: {  	v6 =	vld.idx.msk [tilespmem:v6+s14+$0x0], $0xffff  }
0x1a2: {  	v8 =	vld.idx.msk [tilespmem:v5+s14+$0x0], $0xffff  }
0x1a3: {  	v5 =	vld.idx.msk [tilespmem:v3+s14+$0x0], $0xffff  }
.Ltmp6:
0x1a4: {  	v3 =	vld.idx.msk [tilespmem:v0+s14+$0x0], $0xffff;
	(pc) =	sbr.rel @p0 .LBB2_14-.Ltmp6, $4  }
0x1a5: {  	v0 =	vld.idx.msk [tilespmem:v1+s14+$0x0], $0xffff  }
0x1a6: {  	s10 =	sadd.s32 $0x80, s10;
	v1 =	vld.idx.msk [tilespmem:v2+s14+$0x0], $0xffff  }
0x1a7: {  	v2 =	vld.idx.msk [tilespmem:v4+s14+$0x0], $0xffff;
	[tilespmem:s10+$0x30] =	vst v6  }
0x1a8: {  	s1 =	sadd.s32 $0x80, s1;
	v4 =	vld.idx.msk [tilespmem:v7+s14+$0x0], $0xffff;
	[tilespmem:s10+$0xFFFFFFD0] =	vst v8  }
0x1a9: {  	[tilespmem:s10+$0xFFFFFFE0] =	vst v5  }
0x1aa: {  	[tilespmem:s10+$0xFFFFFFF0] =	vst v3  }
0x1ab: {  	[tilespmem:s10+$0x0] =	vst v0  }
0x1ac: {  	[tilespmem:s10+$0x10] =	vst v1  }
0x1ad: {  	[tilespmem:s10+$0x20] =	vst v2  }
0x1ae: {  	[tilespmem:s10+$0xFFFFFFC0] =	vst v4  }
0x1af: {  	s1 =	rddreg [dreg:$0xd]  }
0x1b0: {  	[hbm4b:s1+s12] =	stream.strided.scatter [tilespmem:s25], [sflag:$0x5], $0x800, s13, s12, $0x38;
	[tilespmem:$0x1E900] =	vst v63  }
0x1b1: {  	_ =	swait.ge [sflag:s22], $0x800  }
0x1b2: {  	[sflag:s22] =	ssyncset.done $0x0  }
0x1b3: {  	[sflag:s22] =	ssyncadd.s32 $0xFFFFF800  }
0x1b4: {  	s11 =	rddreg [dreg:$0x0]  }
0x1b5: {  	[tilespmem:s20], [sflag:$0x4] =	stream.linear.gather [hbm4b:s11+s3], $0x800, $0x38;
	[tilespmem:$0x1E900] =	vst v63  }
0x1b6: {  	_ =	swait.ge [sflag:s6], $0x800  }
0x1b7: {  	[sflag:s6] =	ssyncset.done $0x0  }
0x1b8: {  	[sflag:s6] =	ssyncadd.s32 $0xFFFFF800  }
0x1b9: {  	_ =	swait.ge [sflag:s31], $0x2000  }
0x1ba: {  	s10 =	sld [smem:$0x7FD]  }
0x1bb: {  	[sflag:s31] =	ssyncset.done $0x0  }
0x1bc: {  	s11 =	simm.s32 $0x1D140;
	[sflag:s31] =	ssyncadd.s32 $0xFFFFE000  }
0x1bd: {  	[hbm4b:s10+s3] =	stream.linear.scatter [tilespmem:s19], [sflag:$0x6], $0x2000, $0x38;
	[tilespmem:$0x1E900] =	vst v63  }
0x1be: {  	v0 =	vld [tilespmem:s11+$0x30]  }
0x1bf: {  	v1 =	vld [tilespmem:s11+$0xFFFFFFD0]  }
0x1c0: {  	v2 =	vld [tilespmem:s11+$0xFFFFFFE0]  }
0x1c1: {  	v3 =	vld [tilespmem:s11+$0xFFFFFFF0]  }
0x1c2: {  	v4 =	vld [tilespmem:s11+$0x0]  }
0x1c3: {  	v6 =	vld [tilespmem:s11+$0x10]  }
0x1c4: {  	v7 =	vld [tilespmem:s11+$0x20]  }
0x1c5: {  	v8 =	vld [tilespmem:s11+$0xFFFFFFC0]  }
0x1c6: {  	v9 =	vld.idx.msk [tilespmem:v0+s14+$0x0], $0xffff  }
0x1c7: {  	v10 =	vld.idx.msk [tilespmem:v1+s14+$0x0], $0xffff  }
0x1c8: {  	v5 =	vld.idx.msk [tilespmem:v2+s14+$0x0], $0xffff  }
0x1c9: {  	v3 =	vld.idx.msk [tilespmem:v3+s14+$0x0], $0xffff  }
0x1ca: {  	v0 =	vld.idx.msk [tilespmem:v4+s14+$0x0], $0xffff  }
0x1cb: {  	s10 =	simm.s32 $0x1E140;
	v1 =	vld.idx.msk [tilespmem:v6+s14+$0x0], $0xffff  }
0x1cc: {  	v2 =	vld.idx.msk [tilespmem:v7+s14+$0x0], $0xffff;
	[tilespmem:s10+$0x30] =	vst v9  }
0x1cd: {  	s1 =	simm.s32 $0x1D1C0;
	s11 =	simm.s32 $0x0;
	v4 =	vld.idx.msk [tilespmem:v8+s14+$0x0], $0xffff;
	[tilespmem:s10+$0xFFFFFFD0] =	vst v10  }
.LBB2_16:
0x1ce: {  	v6 =	vld [tilespmem:s1+$0x30];
	s11 =	sadd.s32 $0x8, s11;
	[tilespmem:s10+$0xFFFFFFE0] =	vst v5  }
0x1cf: {  	v5 =	vld [tilespmem:s1+$0xFFFFFFD0];
	p0 =	slt.u32 s11, $0x78;
	[tilespmem:s10+$0xFFFFFFF0] =	vst v3  }
0x1d0: {  	v3 =	vld [tilespmem:s1+$0xFFFFFFE0];
	[tilespmem:s10+$0x0] =	vst v0  }
0x1d1: {  	v0 =	vld [tilespmem:s1+$0xFFFFFFF0];
	[tilespmem:s10+$0x10] =	vst v1  }
0x1d2: {  	v1 =	vld [tilespmem:s1+$0x0];
	[tilespmem:s10+$0x20] =	vst v2  }
0x1d3: {  	v2 =	vld [tilespmem:s1+$0x10];
	[tilespmem:s10+$0xFFFFFFC0] =	vst v4  }
0x1d4: {  	v4 =	vld [tilespmem:s1+$0x20]  }
0x1d5: {  	v7 =	vld [tilespmem:s1+$0xFFFFFFC0]  }
0x1d6: {  	v6 =	vld.idx.msk [tilespmem:v6+s14+$0x0], $0xffff  }
0x1d7: {  	v8 =	vld.idx.msk [tilespmem:v5+s14+$0x0], $0xffff  }
0x1d8: {  	v5 =	vld.idx.msk [tilespmem:v3+s14+$0x0], $0xffff  }
.Ltmp7:
0x1d9: {  	v3 =	vld.idx.msk [tilespmem:v0+s14+$0x0], $0xffff;
	(pc) =	sbr.rel @p0 .LBB2_16-.Ltmp7, $4  }
0x1da: {  	v0 =	vld.idx.msk [tilespmem:v1+s14+$0x0], $0xffff  }
0x1db: {  	s10 =	sadd.s32 $0x80, s10;
	v1 =	vld.idx.msk [tilespmem:v2+s14+$0x0], $0xffff  }
0x1dc: {  	v2 =	vld.idx.msk [tilespmem:v4+s14+$0x0], $0xffff;
	[tilespmem:s10+$0x30] =	vst v6  }
0x1dd: {  	s1 =	sadd.s32 $0x80, s1;
	v4 =	vld.idx.msk [tilespmem:v7+s14+$0x0], $0xffff;
	[tilespmem:s10+$0xFFFFFFD0] =	vst v8  }
0x1de: {  	[tilespmem:s10+$0xFFFFFFE0] =	vst v5  }
0x1df: {  	[tilespmem:s10+$0xFFFFFFF0] =	vst v3  }
0x1e0: {  	[tilespmem:s10+$0x0] =	vst v0  }
0x1e1: {  	[tilespmem:s10+$0x10] =	vst v1  }
0x1e2: {  	[tilespmem:s10+$0x20] =	vst v2  }
0x1e3: {  	[tilespmem:s10+$0xFFFFFFC0] =	vst v4  }
0x1e4: {  	s1 =	rddreg [dreg:$0xf]  }
0x1e5: {  	[hbm4b:s1+s12] =	stream.strided.scatter [tilespmem:s0], [sflag:$0x5], $0x800, s13, s12, $0x38;
	[tilespmem:$0x1E900] =	vst v63  }
0x1e6: {  	s10 =	rddreg [dreg:$0xe]  }
0x1e7: {  	[tilespmem:s14], [sflag:$0x3] =	stream.strided.gather [hbm4b:s10+s12], $0x18700, s13, s12, $0x38;
	[tilespmem:$0x1E900] =	vst v63  }
0x1e8: {  	_ =	swait.ge [sflag:s21], $0x18700  }
0x1e9: {  	[sflag:s21] =	ssyncset.done $0x0  }
0x1ea: {  	[sflag:s21] =	ssyncadd.s32 $0xFFFE7900  }
0x1eb: {  	_ =	swait.ge [sflag:s22], $0x800  }
0x1ec: {  	[sflag:s22] =	ssyncset.done $0x0  }
0x1ed: {  	[sflag:s22] =	ssyncadd.s32 $0xFFFFF800  }
0x1ee: {  	[tilespmem:s23], [sflag:$0x4] =	stream.linear.gather [hbm4b:s26+s3], $0x800, $0x38;
	[tilespmem:$0x1E900] =	vst v63  }
0x1ef: {  	_ =	swait.ge [sflag:s6], $0x800  }
0x1f0: {  	[sflag:s6] =	ssyncset.done $0x0  }
0x1f1: {  	s11 =	simm.s32 $0x1C940;
	[sflag:s6] =	ssyncadd.s32 $0xFFFFF800  }
0x1f2: {  	v0 =	vld [tilespmem:s11+$0x30]  }
0x1f3: {  	v1 =	vld [tilespmem:s11+$0xFFFFFFD0]  }
0x1f4: {  	v2 =	vld [tilespmem:s11+$0xFFFFFFE0]  }
0x1f5: {  	v3 =	vld [tilespmem:s11+$0xFFFFFFF0]  }
0x1f6: {  	v4 =	vld [tilespmem:s11+$0x0]  }
0x1f7: {  	v6 =	vld [tilespmem:s11+$0x10]  }
0x1f8: {  	v7 =	vld [tilespmem:s11+$0x20]  }
0x1f9: {  	v8 =	vld [tilespmem:s11+$0xFFFFFFC0]  }
0x1fa: {  	v9 =	vld.idx.msk [tilespmem:v0+s14+$0x0], $0xffff  }
0x1fb: {  	v10 =	vld.idx.msk [tilespmem:v1+s14+$0x0], $0xffff  }
0x1fc: {  	v5 =	vld.idx.msk [tilespmem:v2+s14+$0x0], $0xffff  }
0x1fd: {  	v3 =	vld.idx.msk [tilespmem:v3+s14+$0x0], $0xffff  }
0x1fe: {  	v0 =	vld.idx.msk [tilespmem:v4+s14+$0x0], $0xffff  }
0x1ff: {  	s10 =	simm.s32 $0x1D940;
	v1 =	vld.idx.msk [tilespmem:v6+s14+$0x0], $0xffff  }
0x200: {  	v2 =	vld.idx.msk [tilespmem:v7+s14+$0x0], $0xffff;
	[tilespmem:s10+$0x30] =	vst v9  }
0x201: {  	s1 =	simm.s32 $0x1C9C0;
	s11 =	simm.s32 $0x0;
	v4 =	vld.idx.msk [tilespmem:v8+s14+$0x0], $0xffff;
	[tilespmem:s10+$0xFFFFFFD0] =	vst v10  }
.LBB2_18:
0x202: {  	v6 =	vld [tilespmem:s1+$0x30];
	s11 =	sadd.s32 $0x8, s11;
	[tilespmem:s10+$0xFFFFFFE0] =	vst v5  }
0x203: {  	v5 =	vld [tilespmem:s1+$0xFFFFFFD0];
	p0 =	slt.u32 s11, $0x78;
	[tilespmem:s10+$0xFFFFFFF0] =	vst v3  }
0x204: {  	v3 =	vld [tilespmem:s1+$0xFFFFFFE0];
	[tilespmem:s10+$0x0] =	vst v0  }
0x205: {  	v0 =	vld [tilespmem:s1+$0xFFFFFFF0];
	[tilespmem:s10+$0x10] =	vst v1  }
0x206: {  	v1 =	vld [tilespmem:s1+$0x0];
	[tilespmem:s10+$0x20] =	vst v2  }
0x207: {  	v2 =	vld [tilespmem:s1+$0x10];
	[tilespmem:s10+$0xFFFFFFC0] =	vst v4  }
0x208: {  	v4 =	vld [tilespmem:s1+$0x20]  }
0x209: {  	v7 =	vld [tilespmem:s1+$0xFFFFFFC0]  }
0x20a: {  	v6 =	vld.idx.msk [tilespmem:v6+s14+$0x0], $0xffff  }
0x20b: {  	v8 =	vld.idx.msk [tilespmem:v5+s14+$0x0], $0xffff  }
0x20c: {  	v5 =	vld.idx.msk [tilespmem:v3+s14+$0x0], $0xffff  }
.Ltmp8:
0x20d: {  	v3 =	vld.idx.msk [tilespmem:v0+s14+$0x0], $0xffff;
	(pc) =	sbr.rel @p0 .LBB2_18-.Ltmp8, $4  }
0x20e: {  	v0 =	vld.idx.msk [tilespmem:v1+s14+$0x0], $0xffff  }
0x20f: {  	s10 =	sadd.s32 $0x80, s10;
	v1 =	vld.idx.msk [tilespmem:v2+s14+$0x0], $0xffff  }
0x210: {  	v2 =	vld.idx.msk [tilespmem:v4+s14+$0x0], $0xffff;
	[tilespmem:s10+$0x30] =	vst v6  }
0x211: {  	s1 =	sadd.s32 $0x80, s1;
	v4 =	vld.idx.msk [tilespmem:v7+s14+$0x0], $0xffff;
	[tilespmem:s10+$0xFFFFFFD0] =	vst v8  }
0x212: {  	[tilespmem:s10+$0xFFFFFFE0] =	vst v5  }
0x213: {  	[tilespmem:s10+$0xFFFFFFF0] =	vst v3  }
0x214: {  	[tilespmem:s10+$0x0] =	vst v0  }
0x215: {  	[tilespmem:s10+$0x10] =	vst v1  }
0x216: {  	[tilespmem:s10+$0x20] =	vst v2  }
0x217: {  	[tilespmem:s10+$0xFFFFFFC0] =	vst v4  }
0x218: {  	s1 =	rddreg [dreg:$0x10]  }
0x219: {  	[hbm4b:s1+s12] =	stream.strided.scatter [tilespmem:s25], [sflag:$0x5], $0x800, s13, s12, $0x38;
	[tilespmem:$0x1E900] =	vst v63  }
0x21a: {  	_ =	swait.ge [sflag:s22], $0x800  }
0x21b: {  	[sflag:s22] =	ssyncset.done $0x0  }
0x21c: {  	[sflag:s22] =	ssyncadd.s32 $0xFFFFF800  }
0x21d: {  	[tilespmem:s20], [sflag:$0x4] =	stream.linear.gather [hbm4b:s28+s3], $0x800, $0x38;
	[tilespmem:$0x1E900] =	vst v63  }
0x21e: {  	_ =	swait.ge [sflag:s6], $0x800  }
0x21f: {  	[sflag:s6] =	ssyncset.done $0x0  }
0x220: {  	s11 =	simm.s32 $0x1D140;
	[sflag:s6] =	ssyncadd.s32 $0xFFFFF800  }
0x221: {  	v0 =	vld [tilespmem:s11+$0x30]  }
0x222: {  	v1 =	vld [tilespmem:s11+$0xFFFFFFD0]  }
0x223: {  	v2 =	vld [tilespmem:s11+$0xFFFFFFE0]  }
0x224: {  	v3 =	vld [tilespmem:s11+$0xFFFFFFF0]  }
0x225: {  	v4 =	vld [tilespmem:s11+$0x0]  }
0x226: {  	v6 =	vld [tilespmem:s11+$0x10]  }
0x227: {  	v7 =	vld [tilespmem:s11+$0x20]  }
0x228: {  	v8 =	vld [tilespmem:s11+$0xFFFFFFC0]  }
0x229: {  	v9 =	vld.idx.msk [tilespmem:v0+s14+$0x0], $0xffff  }
0x22a: {  	v10 =	vld.idx.msk [tilespmem:v1+s14+$0x0], $0xffff  }
0x22b: {  	v5 =	vld.idx.msk [tilespmem:v2+s14+$0x0], $0xffff  }
0x22c: {  	v3 =	vld.idx.msk [tilespmem:v3+s14+$0x0], $0xffff  }
0x22d: {  	v0 =	vld.idx.msk [tilespmem:v4+s14+$0x0], $0xffff  }
0x22e: {  	s10 =	simm.s32 $0x1E140;
	v1 =	vld.idx.msk [tilespmem:v6+s14+$0x0], $0xffff  }
0x22f: {  	v2 =	vld.idx.msk [tilespmem:v7+s14+$0x0], $0xffff;
	[tilespmem:s10+$0x30] =	vst v9  }
0x230: {  	s1 =	simm.s32 $0x1D1C0;
	s11 =	simm.s32 $0x0;
	v4 =	vld.idx.msk [tilespmem:v8+s14+$0x0], $0xffff;
	[tilespmem:s10+$0xFFFFFFD0] =	vst v10  }
.LBB2_20:
0x231: {  	v6 =	vld [tilespmem:s1+$0x30];
	s11 =	sadd.s32 $0x8, s11;
	[tilespmem:s10+$0xFFFFFFE0] =	vst v5  }
0x232: {  	v5 =	vld [tilespmem:s1+$0xFFFFFFD0];
	p0 =	slt.u32 s11, $0x78;
	[tilespmem:s10+$0xFFFFFFF0] =	vst v3  }
0x233: {  	v3 =	vld [tilespmem:s1+$0xFFFFFFE0];
	[tilespmem:s10+$0x0] =	vst v0  }
0x234: {  	v0 =	vld [tilespmem:s1+$0xFFFFFFF0];
	[tilespmem:s10+$0x10] =	vst v1  }
0x235: {  	v1 =	vld [tilespmem:s1+$0x0];
	[tilespmem:s10+$0x20] =	vst v2  }
0x236: {  	v2 =	vld [tilespmem:s1+$0x10];
	[tilespmem:s10+$0xFFFFFFC0] =	vst v4  }
0x237: {  	v4 =	vld [tilespmem:s1+$0x20]  }
0x238: {  	v7 =	vld [tilespmem:s1+$0xFFFFFFC0]  }
0x239: {  	v6 =	vld.idx.msk [tilespmem:v6+s14+$0x0], $0xffff  }
0x23a: {  	v8 =	vld.idx.msk [tilespmem:v5+s14+$0x0], $0xffff  }
0x23b: {  	v5 =	vld.idx.msk [tilespmem:v3+s14+$0x0], $0xffff  }
.Ltmp9:
0x23c: {  	v3 =	vld.idx.msk [tilespmem:v0+s14+$0x0], $0xffff;
	(pc) =	sbr.rel @p0 .LBB2_20-.Ltmp9, $4  }
0x23d: {  	v0 =	vld.idx.msk [tilespmem:v1+s14+$0x0], $0xffff  }
0x23e: {  	s10 =	sadd.s32 $0x80, s10;
	v1 =	vld.idx.msk [tilespmem:v2+s14+$0x0], $0xffff  }
0x23f: {  	v2 =	vld.idx.msk [tilespmem:v4+s14+$0x0], $0xffff;
	[tilespmem:s10+$0x30] =	vst v6  }
0x240: {  	s1 =	sadd.s32 $0x80, s1;
	v4 =	vld.idx.msk [tilespmem:v7+s14+$0x0], $0xffff;
	[tilespmem:s10+$0xFFFFFFD0] =	vst v8  }
0x241: {  	[tilespmem:s10+$0xFFFFFFE0] =	vst v5  }
0x242: {  	[tilespmem:s10+$0xFFFFFFF0] =	vst v3  }
0x243: {  	[tilespmem:s10+$0x0] =	vst v0  }
0x244: {  	[tilespmem:s10+$0x10] =	vst v1  }
0x245: {  	[tilespmem:s10+$0x20] =	vst v2  }
0x246: {  	[tilespmem:s10+$0xFFFFFFC0] =	vst v4  }
0x247: {  	s1 =	rddreg [dreg:$0x11]  }
0x248: {  	[hbm4b:s1+s12] =	stream.strided.scatter [tilespmem:s0], [sflag:$0x5], $0x800, s13, s12, $0x38;
	[tilespmem:$0x1E900] =	vst v63  }
0x249: {  	_ =	swait.ge [sflag:s22], $0x800  }
0x24a: {  	[sflag:s22] =	ssyncset.done $0x0  }
0x24b: {  	[sflag:s22] =	ssyncadd.s32 $0xFFFFF800  }
0x24c: {  	[tilespmem:s23], [sflag:$0x4] =	stream.linear.gather [hbm4b:s30+s3], $0x800, $0x38;
	[tilespmem:$0x1E900] =	vst v63  }
0x24d: {  	_ =	swait.ge [sflag:s6], $0x800  }
0x24e: {  	[sflag:s6] =	ssyncset.done $0x0  }
0x24f: {  	s11 =	simm.s32 $0x1C940;
	[sflag:s6] =	ssyncadd.s32 $0xFFFFF800  }
0x250: {  	v0 =	vld [tilespmem:s11+$0x30]  }
0x251: {  	v1 =	vld [tilespmem:s11+$0xFFFFFFD0]  }
0x252: {  	v2 =	vld [tilespmem:s11+$0xFFFFFFE0]  }
0x253: {  	v3 =	vld [tilespmem:s11+$0xFFFFFFF0]  }
0x254: {  	v4 =	vld [tilespmem:s11+$0x0]  }
0x255: {  	v6 =	vld [tilespmem:s11+$0x10]  }
0x256: {  	v7 =	vld [tilespmem:s11+$0x20]  }
0x257: {  	v8 =	vld [tilespmem:s11+$0xFFFFFFC0]  }
0x258: {  	v9 =	vld.idx.msk [tilespmem:v0+s14+$0x0], $0xffff  }
0x259: {  	v10 =	vld.idx.msk [tilespmem:v1+s14+$0x0], $0xffff  }
0x25a: {  	v5 =	vld.idx.msk [tilespmem:v2+s14+$0x0], $0xffff  }
0x25b: {  	v3 =	vld.idx.msk [tilespmem:v3+s14+$0x0], $0xffff  }
0x25c: {  	v0 =	vld.idx.msk [tilespmem:v4+s14+$0x0], $0xffff  }
0x25d: {  	s10 =	simm.s32 $0x1D940;
	v1 =	vld.idx.msk [tilespmem:v6+s14+$0x0], $0xffff  }
0x25e: {  	v2 =	vld.idx.msk [tilespmem:v7+s14+$0x0], $0xffff;
	[tilespmem:s10+$0x30] =	vst v9  }
0x25f: {  	s1 =	simm.s32 $0x1C9C0;
	s11 =	simm.s32 $0x0;
	v4 =	vld.idx.msk [tilespmem:v8+s14+$0x0], $0xffff;
	[tilespmem:s10+$0xFFFFFFD0] =	vst v10  }
.LBB2_22:
0x260: {  	v6 =	vld [tilespmem:s1+$0x30];
	s11 =	sadd.s32 $0x8, s11;
	[tilespmem:s10+$0xFFFFFFE0] =	vst v5  }
0x261: {  	v5 =	vld [tilespmem:s1+$0xFFFFFFD0];
	p0 =	slt.u32 s11, $0x78;
	[tilespmem:s10+$0xFFFFFFF0] =	vst v3  }
0x262: {  	v3 =	vld [tilespmem:s1+$0xFFFFFFE0];
	[tilespmem:s10+$0x0] =	vst v0  }
0x263: {  	v0 =	vld [tilespmem:s1+$0xFFFFFFF0];
	[tilespmem:s10+$0x10] =	vst v1  }
0x264: {  	v1 =	vld [tilespmem:s1+$0x0];
	[tilespmem:s10+$0x20] =	vst v2  }
0x265: {  	v2 =	vld [tilespmem:s1+$0x10];
	[tilespmem:s10+$0xFFFFFFC0] =	vst v4  }
0x266: {  	v4 =	vld [tilespmem:s1+$0x20]  }
0x267: {  	v7 =	vld [tilespmem:s1+$0xFFFFFFC0]  }
0x268: {  	v6 =	vld.idx.msk [tilespmem:v6+s14+$0x0], $0xffff  }
0x269: {  	v8 =	vld.idx.msk [tilespmem:v5+s14+$0x0], $0xffff  }
0x26a: {  	v5 =	vld.idx.msk [tilespmem:v3+s14+$0x0], $0xffff  }
.Ltmp10:
0x26b: {  	v3 =	vld.idx.msk [tilespmem:v0+s14+$0x0], $0xffff;
	(pc) =	sbr.rel @p0 .LBB2_22-.Ltmp10, $4  }
0x26c: {  	v0 =	vld.idx.msk [tilespmem:v1+s14+$0x0], $0xffff  }
0x26d: {  	s10 =	sadd.s32 $0x80, s10;
	v1 =	vld.idx.msk [tilespmem:v2+s14+$0x0], $0xffff  }
0x26e: {  	v2 =	vld.idx.msk [tilespmem:v4+s14+$0x0], $0xffff;
	[tilespmem:s10+$0x30] =	vst v6  }
0x26f: {  	s1 =	sadd.s32 $0x80, s1;
	v4 =	vld.idx.msk [tilespmem:v7+s14+$0x0], $0xffff;
	[tilespmem:s10+$0xFFFFFFD0] =	vst v8  }
0x270: {  	[tilespmem:s10+$0xFFFFFFE0] =	vst v5  }
0x271: {  	[tilespmem:s10+$0xFFFFFFF0] =	vst v3  }
0x272: {  	[tilespmem:s10+$0x0] =	vst v0  }
0x273: {  	[tilespmem:s10+$0x10] =	vst v1  }
0x274: {  	[tilespmem:s10+$0x20] =	vst v2  }
0x275: {  	[tilespmem:s10+$0xFFFFFFC0] =	vst v4  }
0x276: {  	s1 =	rddreg [dreg:$0x12]  }
0x277: {  	[hbm4b:s1+s12] =	stream.strided.scatter [tilespmem:s25], [sflag:$0x5], $0x800, s13, s12, $0x38;
	[tilespmem:$0x1E900] =	vst v63  }
0x278: {  	_ =	swait.ge [sflag:s22], $0x800  }
0x279: {  	[sflag:s22] =	ssyncset.done $0x0  }
0x27a: {  	[sflag:s22] =	ssyncadd.s32 $0xFFFFF800  }
0x27b: {  	[tilespmem:s20], [sflag:$0x4] =	stream.linear.gather [hbm4b:s16+s3], $0x800, $0x38;
	[tilespmem:$0x1E900] =	vst v63  }
0x27c: {  	_ =	swait.ge [sflag:s6], $0x800  }
0x27d: {  	[sflag:s6] =	ssyncset.done $0x0  }
0x27e: {  	s11 =	simm.s32 $0x1D140;
	[sflag:s6] =	ssyncadd.s32 $0xFFFFF800  }
0x27f: {  	v0 =	vld [tilespmem:s11+$0x30]  }
0x280: {  	v1 =	vld [tilespmem:s11+$0xFFFFFFD0]  }
0x281: {  	v2 =	vld [tilespmem:s11+$0xFFFFFFE0]  }
0x282: {  	v3 =	vld [tilespmem:s11+$0xFFFFFFF0]  }
0x283: {  	v4 =	vld [tilespmem:s11+$0x0]  }
0x284: {  	v6 =	vld [tilespmem:s11+$0x10]  }
0x285: {  	v7 =	vld [tilespmem:s11+$0x20]  }
0x286: {  	v8 =	vld [tilespmem:s11+$0xFFFFFFC0]  }
0x287: {  	v9 =	vld.idx.msk [tilespmem:v0+s14+$0x0], $0xffff  }
0x288: {  	v10 =	vld.idx.msk [tilespmem:v1+s14+$0x0], $0xffff  }
0x289: {  	v5 =	vld.idx.msk [tilespmem:v2+s14+$0x0], $0xffff  }
0x28a: {  	v3 =	vld.idx.msk [tilespmem:v3+s14+$0x0], $0xffff  }
0x28b: {  	v0 =	vld.idx.msk [tilespmem:v4+s14+$0x0], $0xffff  }
0x28c: {  	s10 =	simm.s32 $0x1E140;
	v1 =	vld.idx.msk [tilespmem:v6+s14+$0x0], $0xffff  }
0x28d: {  	v2 =	vld.idx.msk [tilespmem:v7+s14+$0x0], $0xffff;
	[tilespmem:s10+$0x30] =	vst v9  }
0x28e: {  	s1 =	simm.s32 $0x1D1C0;
	s11 =	simm.s32 $0x0;
	v4 =	vld.idx.msk [tilespmem:v8+s14+$0x0], $0xffff;
	[tilespmem:s10+$0xFFFFFFD0] =	vst v10  }
.LBB2_24:
0x28f: {  	v6 =	vld [tilespmem:s1+$0x30];
	s11 =	sadd.s32 $0x8, s11;
	[tilespmem:s10+$0xFFFFFFE0] =	vst v5  }
0x290: {  	v5 =	vld [tilespmem:s1+$0xFFFFFFD0];
	p0 =	slt.u32 s11, $0x78;
	[tilespmem:s10+$0xFFFFFFF0] =	vst v3  }
0x291: {  	v3 =	vld [tilespmem:s1+$0xFFFFFFE0];
	[tilespmem:s10+$0x0] =	vst v0  }
0x292: {  	v0 =	vld [tilespmem:s1+$0xFFFFFFF0];
	[tilespmem:s10+$0x10] =	vst v1  }
0x293: {  	v1 =	vld [tilespmem:s1+$0x0];
	[tilespmem:s10+$0x20] =	vst v2  }
0x294: {  	v2 =	vld [tilespmem:s1+$0x10];
	[tilespmem:s10+$0xFFFFFFC0] =	vst v4  }
0x295: {  	v4 =	vld [tilespmem:s1+$0x20]  }
0x296: {  	v7 =	vld [tilespmem:s1+$0xFFFFFFC0]  }
0x297: {  	v6 =	vld.idx.msk [tilespmem:v6+s14+$0x0], $0xffff  }
0x298: {  	v8 =	vld.idx.msk [tilespmem:v5+s14+$0x0], $0xffff  }
0x299: {  	v5 =	vld.idx.msk [tilespmem:v3+s14+$0x0], $0xffff  }
.Ltmp11:
0x29a: {  	v3 =	vld.idx.msk [tilespmem:v0+s14+$0x0], $0xffff;
	(pc) =	sbr.rel @p0 .LBB2_24-.Ltmp11, $4  }
0x29b: {  	v0 =	vld.idx.msk [tilespmem:v1+s14+$0x0], $0xffff  }
0x29c: {  	s10 =	sadd.s32 $0x80, s10;
	v1 =	vld.idx.msk [tilespmem:v2+s14+$0x0], $0xffff  }
0x29d: {  	v2 =	vld.idx.msk [tilespmem:v4+s14+$0x0], $0xffff;
	[tilespmem:s10+$0x30] =	vst v6  }
0x29e: {  	s1 =	sadd.s32 $0x80, s1;
	v4 =	vld.idx.msk [tilespmem:v7+s14+$0x0], $0xffff;
	[tilespmem:s10+$0xFFFFFFD0] =	vst v8  }
0x29f: {  	[tilespmem:s10+$0xFFFFFFE0] =	vst v5  }
0x2a0: {  	[tilespmem:s10+$0xFFFFFFF0] =	vst v3  }
0x2a1: {  	[tilespmem:s10+$0x0] =	vst v0  }
0x2a2: {  	[tilespmem:s10+$0x10] =	vst v1  }
0x2a3: {  	[tilespmem:s10+$0x20] =	vst v2  }
0x2a4: {  	[tilespmem:s10+$0xFFFFFFC0] =	vst v4  }
0x2a5: {  	s1 =	rddreg [dreg:$0x13]  }
0x2a6: {  	[hbm4b:s1+s12] =	stream.strided.scatter [tilespmem:s0], [sflag:$0x5], $0x800, s13, s12, $0x38;
	[tilespmem:$0x1E900] =	vst v63  }
0x2a7: {  	_ =	swait.ge [sflag:s22], $0x800  }
0x2a8: {  	[sflag:s22] =	ssyncset.done $0x0  }
0x2a9: {  	[sflag:s22] =	ssyncadd.s32 $0xFFFFF800  }
0x2aa: {  	[tilespmem:s23], [sflag:$0x4] =	stream.linear.gather [hbm4b:s4+s3], $0x800, $0x38;
	[tilespmem:$0x1E900] =	vst v63  }
0x2ab: {  	_ =	swait.ge [sflag:s6], $0x800  }
0x2ac: {  	[sflag:s6] =	ssyncset.done $0x0  }
0x2ad: {  	s11 =	simm.s32 $0x1C940;
	[sflag:s6] =	ssyncadd.s32 $0xFFFFF800  }
0x2ae: {  	v0 =	vld [tilespmem:s11+$0x30]  }
0x2af: {  	v1 =	vld [tilespmem:s11+$0xFFFFFFD0]  }
0x2b0: {  	v2 =	vld [tilespmem:s11+$0xFFFFFFE0]  }
0x2b1: {  	v3 =	vld [tilespmem:s11+$0xFFFFFFF0]  }
0x2b2: {  	v4 =	vld [tilespmem:s11+$0x0]  }
0x2b3: {  	v6 =	vld [tilespmem:s11+$0x10]  }
0x2b4: {  	v7 =	vld [tilespmem:s11+$0x20]  }
0x2b5: {  	v8 =	vld [tilespmem:s11+$0xFFFFFFC0]  }
0x2b6: {  	v9 =	vld.idx.msk [tilespmem:v0+s14+$0x0], $0xffff  }
0x2b7: {  	v10 =	vld.idx.msk [tilespmem:v1+s14+$0x0], $0xffff  }
0x2b8: {  	v5 =	vld.idx.msk [tilespmem:v2+s14+$0x0], $0xffff  }
0x2b9: {  	v3 =	vld.idx.msk [tilespmem:v3+s14+$0x0], $0xffff  }
0x2ba: {  	v0 =	vld.idx.msk [tilespmem:v4+s14+$0x0], $0xffff  }
0x2bb: {  	s10 =	simm.s32 $0x1D940;
	v1 =	vld.idx.msk [tilespmem:v6+s14+$0x0], $0xffff  }
0x2bc: {  	v2 =	vld.idx.msk [tilespmem:v7+s14+$0x0], $0xffff;
	[tilespmem:s10+$0x30] =	vst v9  }
0x2bd: {  	s1 =	simm.s32 $0x1C9C0;
	s11 =	simm.s32 $0x0;
	v4 =	vld.idx.msk [tilespmem:v8+s14+$0x0], $0xffff;
	[tilespmem:s10+$0xFFFFFFD0] =	vst v10  }
.LBB2_26:
0x2be: {  	v6 =	vld [tilespmem:s1+$0x30];
	s11 =	sadd.s32 $0x8, s11;
	[tilespmem:s10+$0xFFFFFFE0] =	vst v5  }
0x2bf: {  	v5 =	vld [tilespmem:s1+$0xFFFFFFD0];
	p0 =	slt.u32 s11, $0x78;
	[tilespmem:s10+$0xFFFFFFF0] =	vst v3  }
0x2c0: {  	v3 =	vld [tilespmem:s1+$0xFFFFFFE0];
	[tilespmem:s10+$0x0] =	vst v0  }
0x2c1: {  	v0 =	vld [tilespmem:s1+$0xFFFFFFF0];
	[tilespmem:s10+$0x10] =	vst v1  }
0x2c2: {  	v1 =	vld [tilespmem:s1+$0x0];
	[tilespmem:s10+$0x20] =	vst v2  }
0x2c3: {  	v2 =	vld [tilespmem:s1+$0x10];
	[tilespmem:s10+$0xFFFFFFC0] =	vst v4  }
0x2c4: {  	v4 =	vld [tilespmem:s1+$0x20]  }
0x2c5: {  	v7 =	vld [tilespmem:s1+$0xFFFFFFC0]  }
0x2c6: {  	v6 =	vld.idx.msk [tilespmem:v6+s14+$0x0], $0xffff  }
0x2c7: {  	v8 =	vld.idx.msk [tilespmem:v5+s14+$0x0], $0xffff  }
0x2c8: {  	v5 =	vld.idx.msk [tilespmem:v3+s14+$0x0], $0xffff  }
.Ltmp12:
0x2c9: {  	v3 =	vld.idx.msk [tilespmem:v0+s14+$0x0], $0xffff;
	(pc) =	sbr.rel @p0 .LBB2_26-.Ltmp12, $4  }
0x2ca: {  	v0 =	vld.idx.msk [tilespmem:v1+s14+$0x0], $0xffff  }
0x2cb: {  	s10 =	sadd.s32 $0x80, s10;
	v1 =	vld.idx.msk [tilespmem:v2+s14+$0x0], $0xffff  }
0x2cc: {  	v2 =	vld.idx.msk [tilespmem:v4+s14+$0x0], $0xffff;
	[tilespmem:s10+$0x30] =	vst v6  }
0x2cd: {  	s1 =	sadd.s32 $0x80, s1;
	v4 =	vld.idx.msk [tilespmem:v7+s14+$0x0], $0xffff;
	[tilespmem:s10+$0xFFFFFFD0] =	vst v8  }
0x2ce: {  	[tilespmem:s10+$0xFFFFFFE0] =	vst v5  }
0x2cf: {  	[tilespmem:s10+$0xFFFFFFF0] =	vst v3  }
0x2d0: {  	[tilespmem:s10+$0x0] =	vst v0  }
0x2d1: {  	[tilespmem:s10+$0x10] =	vst v1  }
0x2d2: {  	[tilespmem:s10+$0x20] =	vst v2  }
0x2d3: {  	[tilespmem:s10+$0xFFFFFFC0] =	vst v4  }
0x2d4: {  	s1 =	rddreg [dreg:$0x14]  }
0x2d5: {  	[hbm4b:s1+s12] =	stream.strided.scatter [tilespmem:s25], [sflag:$0x5], $0x800, s13, s12, $0x38;
	[tilespmem:$0x1E900] =	vst v63  }
0x2d6: {  	_ =	swait.ge [sflag:s22], $0x800  }
0x2d7: {  	[sflag:s22] =	ssyncset.done $0x0  }
0x2d8: {  	[sflag:s22] =	ssyncadd.s32 $0xFFFFF800  }
0x2d9: {  	[tilespmem:s20], [sflag:$0x4] =	stream.linear.gather [hbm4b:s7+s3], $0x800, $0x38;
	[tilespmem:$0x1E900] =	vst v63  }
0x2da: {  	_ =	swait.ge [sflag:s6], $0x800  }
0x2db: {  	[sflag:s6] =	ssyncset.done $0x0  }
0x2dc: {  	s11 =	simm.s32 $0x1D140;
	[sflag:s6] =	ssyncadd.s32 $0xFFFFF800  }
0x2dd: {  	v0 =	vld [tilespmem:s11+$0x30]  }
0x2de: {  	v1 =	vld [tilespmem:s11+$0xFFFFFFD0]  }
0x2df: {  	v2 =	vld [tilespmem:s11+$0xFFFFFFE0]  }
0x2e0: {  	v3 =	vld [tilespmem:s11+$0xFFFFFFF0]  }
0x2e1: {  	v4 =	vld [tilespmem:s11+$0x0]  }
0x2e2: {  	v6 =	vld [tilespmem:s11+$0x10]  }
0x2e3: {  	v7 =	vld [tilespmem:s11+$0x20]  }
0x2e4: {  	v8 =	vld [tilespmem:s11+$0xFFFFFFC0]  }
0x2e5: {  	v9 =	vld.idx.msk [tilespmem:v0+s14+$0x0], $0xffff  }
0x2e6: {  	v10 =	vld.idx.msk [tilespmem:v1+s14+$0x0], $0xffff  }
0x2e7: {  	v5 =	vld.idx.msk [tilespmem:v2+s14+$0x0], $0xffff  }
0x2e8: {  	v3 =	vld.idx.msk [tilespmem:v3+s14+$0x0], $0xffff  }
0x2e9: {  	v0 =	vld.idx.msk [tilespmem:v4+s14+$0x0], $0xffff  }
0x2ea: {  	s10 =	simm.s32 $0x1E140;
	v1 =	vld.idx.msk [tilespmem:v6+s14+$0x0], $0xffff  }
0x2eb: {  	v2 =	vld.idx.msk [tilespmem:v7+s14+$0x0], $0xffff;
	[tilespmem:s10+$0x30] =	vst v9  }
0x2ec: {  	s1 =	simm.s32 $0x1D1C0;
	s11 =	simm.s32 $0x0;
	v4 =	vld.idx.msk [tilespmem:v8+s14+$0x0], $0xffff;
	[tilespmem:s10+$0xFFFFFFD0] =	vst v10  }
.LBB2_28:
0x2ed: {  	v6 =	vld [tilespmem:s1+$0x30];
	s11 =	sadd.s32 $0x8, s11;
	[tilespmem:s10+$0xFFFFFFE0] =	vst v5  }
0x2ee: {  	v5 =	vld [tilespmem:s1+$0xFFFFFFD0];
	p0 =	slt.u32 s11, $0x78;
	[tilespmem:s10+$0xFFFFFFF0] =	vst v3  }
0x2ef: {  	v3 =	vld [tilespmem:s1+$0xFFFFFFE0];
	[tilespmem:s10+$0x0] =	vst v0  }
0x2f0: {  	v0 =	vld [tilespmem:s1+$0xFFFFFFF0];
	[tilespmem:s10+$0x10] =	vst v1  }
0x2f1: {  	v1 =	vld [tilespmem:s1+$0x0];
	[tilespmem:s10+$0x20] =	vst v2  }
0x2f2: {  	v2 =	vld [tilespmem:s1+$0x10];
	[tilespmem:s10+$0xFFFFFFC0] =	vst v4  }
0x2f3: {  	v4 =	vld [tilespmem:s1+$0x20]  }
0x2f4: {  	v7 =	vld [tilespmem:s1+$0xFFFFFFC0]  }
0x2f5: {  	v6 =	vld.idx.msk [tilespmem:v6+s14+$0x0], $0xffff  }
0x2f6: {  	v8 =	vld.idx.msk [tilespmem:v5+s14+$0x0], $0xffff  }
0x2f7: {  	v5 =	vld.idx.msk [tilespmem:v3+s14+$0x0], $0xffff  }
.Ltmp13:
0x2f8: {  	v3 =	vld.idx.msk [tilespmem:v0+s14+$0x0], $0xffff;
	(pc) =	sbr.rel @p0 .LBB2_28-.Ltmp13, $4  }
0x2f9: {  	v0 =	vld.idx.msk [tilespmem:v1+s14+$0x0], $0xffff  }
0x2fa: {  	s10 =	sadd.s32 $0x80, s10;
	v1 =	vld.idx.msk [tilespmem:v2+s14+$0x0], $0xffff  }
0x2fb: {  	v2 =	vld.idx.msk [tilespmem:v4+s14+$0x0], $0xffff;
	[tilespmem:s10+$0x30] =	vst v6  }
0x2fc: {  	s1 =	sadd.s32 $0x80, s1;
	v4 =	vld.idx.msk [tilespmem:v7+s14+$0x0], $0xffff;
	[tilespmem:s10+$0xFFFFFFD0] =	vst v8  }
0x2fd: {  	[tilespmem:s10+$0xFFFFFFE0] =	vst v5  }
0x2fe: {  	[tilespmem:s10+$0xFFFFFFF0] =	vst v3  }
0x2ff: {  	[tilespmem:s10+$0x0] =	vst v0  }
0x300: {  	[tilespmem:s10+$0x10] =	vst v1  }
0x301: {  	[tilespmem:s10+$0x20] =	vst v2  }
0x302: {  	[tilespmem:s10+$0xFFFFFFC0] =	vst v4  }
0x303: {  	s1 =	rddreg [dreg:$0x15]  }
0x304: {  	[hbm4b:s1+s12] =	stream.strided.scatter [tilespmem:s0], [sflag:$0x5], $0x800, s13, s12, $0x38;
	[tilespmem:$0x1E900] =	vst v63  }
0x305: {  	_ =	swait.ge [sflag:s22], $0x800  }
0x306: {  	[sflag:s22] =	ssyncset.done $0x0  }
0x307: {  	[sflag:s22] =	ssyncadd.s32 $0xFFFFF800  }
0x308: {  	[tilespmem:s23], [sflag:$0x4] =	stream.linear.gather [hbm4b:s9+s3], $0x800, $0x38;
	[tilespmem:$0x1E900] =	vst v63  }
0x309: {  	_ =	swait.ge [sflag:s6], $0x800  }
0x30a: {  	[sflag:s6] =	ssyncset.done $0x0  }
0x30b: {  	s11 =	simm.s32 $0x1C940;
	[sflag:s6] =	ssyncadd.s32 $0xFFFFF800  }
0x30c: {  	v0 =	vld [tilespmem:s11+$0x30]  }
0x30d: {  	v1 =	vld [tilespmem:s11+$0xFFFFFFD0]  }
0x30e: {  	v2 =	vld [tilespmem:s11+$0xFFFFFFE0]  }
0x30f: {  	v3 =	vld [tilespmem:s11+$0xFFFFFFF0]  }
0x310: {  	v4 =	vld [tilespmem:s11+$0x0]  }
0x311: {  	v6 =	vld [tilespmem:s11+$0x10]  }
0x312: {  	v7 =	vld [tilespmem:s11+$0x20]  }
0x313: {  	v8 =	vld [tilespmem:s11+$0xFFFFFFC0]  }
0x314: {  	v9 =	vld.idx.msk [tilespmem:v0+s14+$0x0], $0xffff  }
0x315: {  	v10 =	vld.idx.msk [tilespmem:v1+s14+$0x0], $0xffff  }
0x316: {  	v5 =	vld.idx.msk [tilespmem:v2+s14+$0x0], $0xffff  }
0x317: {  	v3 =	vld.idx.msk [tilespmem:v3+s14+$0x0], $0xffff  }
0x318: {  	v0 =	vld.idx.msk [tilespmem:v4+s14+$0x0], $0xffff  }
0x319: {  	s10 =	simm.s32 $0x1D940;
	v1 =	vld.idx.msk [tilespmem:v6+s14+$0x0], $0xffff  }
0x31a: {  	v2 =	vld.idx.msk [tilespmem:v7+s14+$0x0], $0xffff;
	[tilespmem:s10+$0x30] =	vst v9  }
0x31b: {  	s1 =	simm.s32 $0x1C9C0;
	s11 =	simm.s32 $0x0;
	v4 =	vld.idx.msk [tilespmem:v8+s14+$0x0], $0xffff;
	[tilespmem:s10+$0xFFFFFFD0] =	vst v10  }
.LBB2_30:
0x31c: {  	v6 =	vld [tilespmem:s1+$0x30];
	s11 =	sadd.s32 $0x8, s11;
	[tilespmem:s10+$0xFFFFFFE0] =	vst v5  }
0x31d: {  	v5 =	vld [tilespmem:s1+$0xFFFFFFD0];
	p0 =	slt.u32 s11, $0x78;
	[tilespmem:s10+$0xFFFFFFF0] =	vst v3  }
0x31e: {  	v3 =	vld [tilespmem:s1+$0xFFFFFFE0];
	[tilespmem:s10+$0x0] =	vst v0  }
0x31f: {  	v0 =	vld [tilespmem:s1+$0xFFFFFFF0];
	[tilespmem:s10+$0x10] =	vst v1  }
0x320: {  	v1 =	vld [tilespmem:s1+$0x0];
	[tilespmem:s10+$0x20] =	vst v2  }
0x321: {  	v2 =	vld [tilespmem:s1+$0x10];
	[tilespmem:s10+$0xFFFFFFC0] =	vst v4  }
0x322: {  	v4 =	vld [tilespmem:s1+$0x20]  }
0x323: {  	v7 =	vld [tilespmem:s1+$0xFFFFFFC0]  }
0x324: {  	v6 =	vld.idx.msk [tilespmem:v6+s14+$0x0], $0xffff  }
0x325: {  	v8 =	vld.idx.msk [tilespmem:v5+s14+$0x0], $0xffff  }
0x326: {  	v5 =	vld.idx.msk [tilespmem:v3+s14+$0x0], $0xffff  }
.Ltmp14:
0x327: {  	v3 =	vld.idx.msk [tilespmem:v0+s14+$0x0], $0xffff;
	(pc) =	sbr.rel @p0 .LBB2_30-.Ltmp14, $4  }
0x328: {  	v0 =	vld.idx.msk [tilespmem:v1+s14+$0x0], $0xffff  }
0x329: {  	s10 =	sadd.s32 $0x80, s10;
	v1 =	vld.idx.msk [tilespmem:v2+s14+$0x0], $0xffff  }
0x32a: {  	v2 =	vld.idx.msk [tilespmem:v4+s14+$0x0], $0xffff;
	[tilespmem:s10+$0x30] =	vst v6  }
0x32b: {  	s1 =	sadd.s32 $0x80, s1;
	v4 =	vld.idx.msk [tilespmem:v7+s14+$0x0], $0xffff;
	[tilespmem:s10+$0xFFFFFFD0] =	vst v8  }
0x32c: {  	[tilespmem:s10+$0xFFFFFFE0] =	vst v5  }
0x32d: {  	[tilespmem:s10+$0xFFFFFFF0] =	vst v3  }
0x32e: {  	[tilespmem:s10+$0x0] =	vst v0  }
0x32f: {  	[tilespmem:s10+$0x10] =	vst v1  }
0x330: {  	[tilespmem:s10+$0x20] =	vst v2  }
0x331: {  	[tilespmem:s10+$0xFFFFFFC0] =	vst v4  }
0x332: {  	s1 =	rddreg [dreg:$0x16]  }
0x333: {  	[hbm4b:s1+s12] =	stream.strided.scatter [tilespmem:s25], [sflag:$0x5], $0x800, s13, s12, $0x38;
	[tilespmem:$0x1E900] =	vst v63  }
0x334: {  	_ =	swait.ge [sflag:s22], $0x800  }
0x335: {  	[sflag:s22] =	ssyncset.done $0x0  }
0x336: {  	[sflag:s22] =	ssyncadd.s32 $0xFFFFF800  }
0x337: {  	_ =	swait.ge [sflag:s6], $0x800  }
0x338: {  	[sflag:s6] =	ssyncset.done $0x0  }
0x339: {  	s11 =	simm.s32 $0x1D140;
	[sflag:s6] =	ssyncadd.s32 $0xFFFFF800  }
0x33a: {  	v0 =	vld [tilespmem:s11+$0x30]  }
0x33b: {  	v1 =	vld [tilespmem:s11+$0xFFFFFFD0]  }
0x33c: {  	v2 =	vld [tilespmem:s11+$0xFFFFFFE0]  }
0x33d: {  	v3 =	vld [tilespmem:s11+$0xFFFFFFF0]  }
0x33e: {  	v4 =	vld [tilespmem:s11+$0x0]  }
0x33f: {  	v6 =	vld [tilespmem:s11+$0x10]  }
0x340: {  	v7 =	vld [tilespmem:s11+$0x20]  }
0x341: {  	v8 =	vld [tilespmem:s11+$0xFFFFFFC0]  }
0x342: {  	v9 =	vld.idx.msk [tilespmem:v0+s14+$0x0], $0xffff  }
0x343: {  	v10 =	vld.idx.msk [tilespmem:v1+s14+$0x0], $0xffff  }
0x344: {  	v5 =	vld.idx.msk [tilespmem:v2+s14+$0x0], $0xffff  }
0x345: {  	v3 =	vld.idx.msk [tilespmem:v3+s14+$0x0], $0xffff  }
0x346: {  	v0 =	vld.idx.msk [tilespmem:v4+s14+$0x0], $0xffff  }
0x347: {  	s10 =	simm.s32 $0x1E140;
	v1 =	vld.idx.msk [tilespmem:v6+s14+$0x0], $0xffff  }
0x348: {  	v2 =	vld.idx.msk [tilespmem:v7+s14+$0x0], $0xffff;
	[tilespmem:s10+$0x30] =	vst v9  }
0x349: {  	s1 =	simm.s32 $0x1D1C0;
	s11 =	simm.s32 $0x0;
	v4 =	vld.idx.msk [tilespmem:v8+s14+$0x0], $0xffff;
	[tilespmem:s10+$0xFFFFFFD0] =	vst v10  }
.LBB2_32:
0x34a: {  	v6 =	vld [tilespmem:s1+$0x30];
	s11 =	sadd.s32 $0x8, s11;
	[tilespmem:s10+$0xFFFFFFE0] =	vst v5  }
0x34b: {  	v5 =	vld [tilespmem:s1+$0xFFFFFFD0];
	p0 =	slt.u32 s11, $0x78;
	[tilespmem:s10+$0xFFFFFFF0] =	vst v3  }
0x34c: {  	v3 =	vld [tilespmem:s1+$0xFFFFFFE0];
	[tilespmem:s10+$0x0] =	vst v0  }
0x34d: {  	v0 =	vld [tilespmem:s1+$0xFFFFFFF0];
	[tilespmem:s10+$0x10] =	vst v1  }
0x34e: {  	v1 =	vld [tilespmem:s1+$0x0];
	[tilespmem:s10+$0x20] =	vst v2  }
0x34f: {  	v2 =	vld [tilespmem:s1+$0x10];
	[tilespmem:s10+$0xFFFFFFC0] =	vst v4  }
0x350: {  	v4 =	vld [tilespmem:s1+$0x20]  }
0x351: {  	v7 =	vld [tilespmem:s1+$0xFFFFFFC0]  }
0x352: {  	v6 =	vld.idx.msk [tilespmem:v6+s14+$0x0], $0xffff  }
0x353: {  	v8 =	vld.idx.msk [tilespmem:v5+s14+$0x0], $0xffff  }
0x354: {  	v5 =	vld.idx.msk [tilespmem:v3+s14+$0x0], $0xffff  }
.Ltmp15:
0x355: {  	v3 =	vld.idx.msk [tilespmem:v0+s14+$0x0], $0xffff;
	(pc) =	sbr.rel @p0 .LBB2_32-.Ltmp15, $4  }
0x356: {  	v0 =	vld.idx.msk [tilespmem:v1+s14+$0x0], $0xffff  }
0x357: {  	s10 =	sadd.s32 $0x80, s10;
	v1 =	vld.idx.msk [tilespmem:v2+s14+$0x0], $0xffff  }
0x358: {  	v2 =	vld.idx.msk [tilespmem:v4+s14+$0x0], $0xffff;
	[tilespmem:s10+$0x30] =	vst v6  }
0x359: {  	s1 =	sadd.s32 $0x80, s1;
	v4 =	vld.idx.msk [tilespmem:v7+s14+$0x0], $0xffff;
	[tilespmem:s10+$0xFFFFFFD0] =	vst v8  }
0x35a: {  	[tilespmem:s10+$0xFFFFFFE0] =	vst v5  }
0x35b: {  	[tilespmem:s10+$0xFFFFFFF0] =	vst v3  }
0x35c: {  	[tilespmem:s10+$0x0] =	vst v0  }
0x35d: {  	[tilespmem:s10+$0x10] =	vst v1  }
0x35e: {  	[tilespmem:s10+$0x20] =	vst v2  }
0x35f: {  	[tilespmem:s10+$0xFFFFFFC0] =	vst v4  }
0x360: {  	s1 =	rddreg [dreg:$0x17]  }
0x361: {  	[hbm4b:s1+s12] =	stream.strided.scatter [tilespmem:s0], [sflag:$0x5], $0x800, s13, s12, $0x38;
	[tilespmem:$0x1E900] =	vst v63  }
0x362: {  	_ =	swait.ge [sflag:s6], $0x800  }
0x363: {  	[sflag:s6] =	ssyncset.done $0x0  }
0x364: {  	[sflag:s6] =	ssyncadd.s32 $0xFFFFF800  }
0x365: {  	_ =	swait.ge [sflag:s6], $0x800  }
0x366: {  	[sflag:s6] =	ssyncset.done $0x0  }
0x367: {  	[sflag:s6] =	ssyncadd.s32 $0xFFFFF800  }
0x368: {  	_ =	swait.ge [sflag:s29], $0x2000  }
0x369: {  	[sflag:s29] =	ssyncset.done $0x0  }
0x36a: {  	[sflag:s29] =	ssyncadd.s32 $0xFFFFE000  }
0x36b: {  	_ =	swait.ge [sflag:s29], $0x2000  }
0x36c: {  	s8 =	sadd.s32 $0x1, s8;
	s11 =	rddreg [dreg:$0x19]  }
0x36d: {  	p0 =	sne.s32 s8, s11  }
.Ltmp16:
0x36e: {  	_ = 	snop;
	(pc) =	sbr.rel @p0 .LBB2_1-.Ltmp16, $3  }
0x36f: {  	_ =	sdelay $0x1  }
0x370: {  	[sflag:s29] =	ssyncset.done $0x0  }
0x371: {  	[sflag:s29] =	ssyncadd.s32 $0xFFFFE000  }
0x372: {  	_ =	sfence.sel $0x180000  }
0x373: {  	[bflag:$0x0] =	sbarrier.arrive $0xFFFF  }
0x374: {  	_ =	strace $0x90000047  }
0x375: {  	s0 =	stileid.u32;
	[bflag:$0x2] =	sbarrier.arrive $0xFFFF  }
0x376: {  	p0 =	sne.s32 s0, $0x0;
	s0 =	rddreg [dreg:$0x5]  }
0x377: {  	s0 =	sadd.s32 @!p0 $0x100000, s0  }
0x378: {  	[sflag:s0] =	ssyncadd.tile.s32 @!p0 $0x1;
	_ =	shalt  }
.Lfunc_end2:
_tile_overlayer_lowered:
.L_overlay_start_2:
0x379: {  	(tag) =	ssettag $0x2  }
0x37a: {  	s0 =	rddreg [dreg:$0x0];
	s2 =	stileid.u32  }
0x37b: {  	s1 =	rddreg [dreg:$0x1];
	p0 =	sne.s32 s2, $0x0  }
0x37c: {  	s3 =	rddreg [dreg:$0x2];
	[bflag:$0x3] =	sbarrier.arrive $0xFFFF;
	s2 =	simm.s32 @!p0 $0x1C07  }
0x37d: {  	[timem:s3], [sflag:s2] =	dma.local @!p0 [hbm:s0], s1  }
0x37e: {  	s0 =	simm.s32 @!p0 $0x7  }
0x37f: {  	_ =	swait.ge @!p0 [sflag:s0], s1  }
0x380: {  	s1 =	ssub.s32 @!p0 $0x0, s1;
	[sflag:s0] =	ssyncset.done @!p0 $0x0  }
0x381: {  	[sflag:s0] =	ssyncadd.s32 @!p0 s1  }
0x382: {  	[bflag:$0x3] =	sbarrier.arrive $0xFFFF  }
0x383: {  	_ =	shalt  }

</sc_bundles>
